<compile_context>
chip_gen: v7x
topology: tpu7x:2x2x1
jax: 0.10.2.dev20260603
libtpu: 0.0.44.dev20260713+nightly
codegen_flags: <defaults>
</compile_context>

<pallas_src>
import jax
import jax.numpy as jnp
import numpy as np
from jax import lax
from jax.experimental import pallas as pl
from jax.experimental.pallas import tpu as pltpu
from jax.experimental.pallas import tpu_sc as plsc

E = 16
D_IN = 768
D_HID = 256
D_OUT = 768
B = 2048
HALF = B // 2
LOSS_COEF = 0.01
_EPS = float(np.finfo(float).eps)

_BB = 256
_T = 128
_NBUF = 2 * B + 16 * _T + 512
_NB = _NBUF // _T
_NBPAD = 64
_NW = 32
_TPW = B // _NW


def _router_body(x_ref, wg_ref, g1_ref, g2_ref, pos1_ref, pos2_ref,
                 blk_ref, imp_ref, load_ref, e1s_ref, e2s_ref,
                 cntS2_ref, cntSA_ref, runA_ref, runB_ref):
    p = pl.program_id(0)
    i = pl.program_id(1)
    idx = lax.broadcasted_iota(jnp.int32, (_BB, E), 1)
    c = i // 4

    @pl.when((p == 0) & (i == 0))
    def _():
        imp_ref[...] = jnp.zeros_like(imp_ref)
        load_ref[...] = jnp.zeros_like(load_ref)
        cntS2_ref[...] = jnp.zeros_like(cntS2_ref)
        cntSA_ref[...] = jnp.zeros_like(cntSA_ref)

    @pl.when(p == 0)
    def _():
        logits = jnp.dot(x_ref[...], wg_ref[...],
                         preferred_element_type=jnp.float32)
        mx1 = jnp.max(logits, axis=1, keepdims=True)
        a1 = jnp.min(jnp.where(logits == mx1, idx, E), axis=1, keepdims=True)
        oh1 = idx == a1
        masked = jnp.where(oh1, -jnp.inf, logits)
        mx2 = jnp.max(masked, axis=1, keepdims=True)
        a2 = jnp.min(jnp.where(masked == mx2, idx, E), axis=1, keepdims=True)
        oh2 = idx == a2
        t = jnp.exp(mx2 - mx1)
        g1 = 1.0 / (1.0 + t)
        g2 = t / (1.0 + t)
        g1_ref[...] = g1
        g2_ref[...] = g2
        e1s_ref[pl.ds(i * _BB, _BB)] = a1
        e2s_ref[pl.ds(i * _BB, _BB)] = a2
        oh1f = oh1.astype(jnp.float32)
        oh2f = oh2.astype(jnp.float32)
        cntS2_ref[pl.ds(c, 1)] += jnp.sum(oh1f + oh2f, axis=0, keepdims=True)[None]
        cntSA_ref[pl.ds(c, 1)] += jnp.sum(oh1f, axis=0, keepdims=True)[None]
        gates = jnp.where(oh1, g1, 0.0) + jnp.where(oh2, g2, 0.0)
        imp_ref[...] += jnp.sum(gates, axis=0, keepdims=True)
        load_ref[...] += jnp.sum((gates > 0).astype(jnp.float32), axis=0,
                                 keepdims=True)

    @pl.when(p == 1)
    def _():
        @pl.when(i % 4 == 0)
        def _():
            runA_ref[...] = jnp.zeros_like(runA_ref)
            runB_ref[...] = jnp.zeros_like(runB_ref)

        oh1f = (idx == e1s_ref[pl.ds(i * _BB, _BB)]).astype(jnp.float32)
        oh2f = (idx == e2s_ref[pl.ds(i * _BB, _BB)]).astype(jnp.float32)

        n0 = cntS2_ref[0]
        n1 = cntS2_ref[1]
        m0 = jnp.floor((n0 + 15) / 16) * 16
        m1 = jnp.floor((n1 + 15) / 16) * 16
        pad = jnp.floor((m0 + m1 + (_T - 1)) / _T) * _T
        le = lax.broadcasted_iota(jnp.int32, (E, E), 0)
        ce = lax.broadcasted_iota(jnp.int32, (E, E), 1)
        UT = (le <= ce).astype(jnp.float32)
        cs = jnp.dot(pad, UT, preferred_element_type=jnp.float32)
        off = cs - pad
        baseA = jnp.where(c == 0, off, off + m0)
        baseB = baseA + jnp.where(c == 0, cntSA_ref[0], cntSA_ref[1])

        r = lax.broadcasted_iota(jnp.int32, (_BB, _BB), 0)
        cc = lax.broadcasted_iota(jnp.int32, (_BB, _BB), 1)
        L = (r > cc).astype(jnp.float32)
        prefA = jnp.dot(L, oh1f, preferred_element_type=jnp.float32) + runA_ref[...]
        prefB = jnp.dot(L, oh2f, preferred_element_type=jnp.float32) + runB_ref[...]
        pos1 = jnp.sum((baseA + prefA) * oh1f, axis=1, keepdims=True)
        pos2 = jnp.sum((baseB + prefB) * oh2f, axis=1, keepdims=True)
        pos1_ref[...] = pos1.astype(jnp.int32)
        pos2_ref[...] = pos2.astype(jnp.int32)
        runA_ref[...] += jnp.sum(oh1f, axis=0, keepdims=True)
        runB_ref[...] += jnp.sum(oh2f, axis=0, keepdims=True)

        total = jnp.max(cs)
        bs = lax.broadcasted_iota(jnp.int32, (_NBPAD, E), 0).astype(jnp.float32) * _T
        ge = (bs >= cs).astype(jnp.float32)
        be = jnp.minimum(jnp.sum(ge, axis=1, keepdims=True), E - 1)
        valid = (bs[:, :1] < total).astype(jnp.float32)
        blk_ref[...] = jnp.concatenate([be, valid], axis=1).astype(jnp.int32)


def _router(x, w_gate):
    nb = B // _BB

    def tok_pass0(p, i):
        return (jnp.where(p == 0, i, nb), 0)

    def tok_pass1(p, i):
        return (jnp.where(p == 1, i, nb), 0)

    return pl.pallas_call(
        _router_body,
        grid=(2, nb),
        in_specs=[
            pl.BlockSpec((_BB, D_IN), lambda p, i: (jnp.where(p == 0, i, 0), 0)),
            pl.BlockSpec((D_IN, E), lambda p, i: (0, 0)),
        ],
        out_specs=[
            pl.BlockSpec((_BB, 1), tok_pass0),
            pl.BlockSpec((_BB, 1), tok_pass0),
            pl.BlockSpec((_BB, 1), tok_pass1),
            pl.BlockSpec((_BB, 1), tok_pass1),
            pl.BlockSpec((_NBPAD, 2), lambda p, i: (0, 0)),
            pl.BlockSpec((1, E), lambda p, i: (0, 0)),
            pl.BlockSpec((1, E), lambda p, i: (0, 0)),
        ],
        out_shape=[
            jax.ShapeDtypeStruct((B + _BB, 1), jnp.float32),
            jax.ShapeDtypeStruct((B + _BB, 1), jnp.float32),
            jax.ShapeDtypeStruct((B + _BB, 1), jnp.int32),
            jax.ShapeDtypeStruct((B + _BB, 1), jnp.int32),
            jax.ShapeDtypeStruct((_NBPAD, 2), jnp.int32),
            jax.ShapeDtypeStruct((1, E), jnp.float32),
            jax.ShapeDtypeStruct((1, E), jnp.float32),
        ],
        scratch_shapes=[
            pltpu.VMEM((B, 1), jnp.int32),
            pltpu.VMEM((B, 1), jnp.int32),
            pltpu.VMEM((2, 1, E), jnp.float32),
            pltpu.VMEM((2, 1, E), jnp.float32),
            pltpu.VMEM((1, E), jnp.float32),
            pltpu.VMEM((1, E), jnp.float32),
        ],
        compiler_params=pltpu.CompilerParams(
            dimension_semantics=("arbitrary", "arbitrary"),
        ),
    )(x, w_gate)


def _scatter_body(x_hbm, pos1_hbm, pos2_hbm, xs_hbm,
                  idx1, idx2, rows_v, sem1, sem2, sem3):
    c = lax.axis_index("c")
    s = lax.axis_index("s")
    w = c * 16 + s
    tb = pl.multiple_of(w * _TPW, 16)
    cp1 = pltpu.async_copy(pos1_hbm.at[pl.ds(tb, _TPW)], idx1, sem1)
    cp2 = pltpu.async_copy(pos2_hbm.at[pl.ds(tb, _TPW)], idx2, sem2)
    cp3 = pltpu.async_copy(x_hbm.at[pl.ds(tb, _TPW)], rows_v, sem3)
    cp1.wait()
    cp2.wait()
    cp3.wait()
    pltpu.async_copy(rows_v, xs_hbm.at[idx1], sem1).wait()
    pltpu.async_copy(rows_v, xs_hbm.at[idx2], sem2).wait()


def _scatter_x(x, pos1, pos2):
    mesh = plsc.VectorSubcoreMesh(core_axis_name="c", subcore_axis_name="s")
    f = pl.kernel(
        _scatter_body,
        out_type=jax.ShapeDtypeStruct((_NBUF, D_IN), jnp.float32),
        mesh=mesh,
        scratch_types=[
            pltpu.VMEM((_TPW,), jnp.int32),
            pltpu.VMEM((_TPW,), jnp.int32),
            pltpu.VMEM((_TPW, D_IN), jnp.float32),
            pltpu.SemaphoreType.DMA,
            pltpu.SemaphoreType.DMA,
            pltpu.SemaphoreType.DMA,
        ],
    )
    return f(x, pos1, pos2)


def _expert_body(blk_ref, xs_ref, w1_ref, b1_ref, w2_ref, b2_ref, ys_ref):
    i = pl.program_id(0)

    @pl.when(blk_ref[i, 1] > 0)
    def _():
        x = xs_ref[...]
        h = jnp.maximum(
            jnp.dot(x, w1_ref[0], preferred_element_type=jnp.float32) + b1_ref[0],
            0.0,
        )
        o = jnp.dot(h, w2_ref[0], preferred_element_type=jnp.float32) + b2_ref[0]
        m = jnp.max(o, axis=-1, keepdims=True)
        p = jnp.exp(o - m)
        ys_ref[...] = p / jnp.sum(p, axis=-1, keepdims=True)


def _experts(blk, xs, W1, b1, W2, b2):
    grid_spec = pltpu.PrefetchScalarGridSpec(
        num_scalar_prefetch=1,
        grid=(_NB,),
        in_specs=[
            pl.BlockSpec((_T, D_IN), lambda i, blk: (jnp.where(blk[i, 1] > 0, i, 0), 0)),
            pl.BlockSpec((1, D_IN, D_HID), lambda i, blk: (blk[i, 0], 0, 0)),
            pl.BlockSpec((1, 1, D_HID), lambda i, blk: (blk[i, 0], 0, 0)),
            pl.BlockSpec((1, D_HID, D_OUT), lambda i, blk: (blk[i, 0], 0, 0)),
            pl.BlockSpec((1, 1, D_OUT), lambda i, blk: (blk[i, 0], 0, 0)),
        ],
        out_specs=pl.BlockSpec((_T, D_OUT),
                               lambda i, blk: (jnp.where(blk[i, 1] > 0, i, _NB), 0)),
    )
    return pl.pallas_call(
        _expert_body,
        grid_spec=grid_spec,
        out_shape=jax.ShapeDtypeStruct((_NBUF + _T, D_OUT), jnp.float32),
        compiler_params=pltpu.CompilerParams(
            dimension_semantics=("arbitrary",),
        ),
    )(blk, xs, W1, b1[:, None, :], W2, b2[:, None, :])


def _gather_body(ys_hbm, pos1_hbm, pos2_hbm, a1_hbm, a2_hbm,
                 idx1, idx2, rows1, rows2, sem1, sem2):
    c = lax.axis_index("c")
    s = lax.axis_index("s")
    w = c * 16 + s
    tb = pl.multiple_of(w * _TPW, 16)
    cp1 = pltpu.async_copy(pos1_hbm.at[pl.ds(tb, _TPW)], idx1, sem1)
    cp2 = pltpu.async_copy(pos2_hbm.at[pl.ds(tb, _TPW)], idx2, sem2)
    cp1.wait()
    cp2.wait()
    cp1 = pltpu.async_copy(ys_hbm.at[idx1], rows1, sem1)
    cp2 = pltpu.async_copy(ys_hbm.at[idx2], rows2, sem2)
    cp1.wait()
    cp2.wait()
    cp1 = pltpu.async_copy(rows1, a1_hbm.at[pl.ds(tb, _TPW)], sem1)
    cp2 = pltpu.async_copy(rows2, a2_hbm.at[pl.ds(tb, _TPW)], sem2)
    cp1.wait()
    cp2.wait()


def _gather_ys(ys, pos1, pos2):
    mesh = plsc.VectorSubcoreMesh(core_axis_name="c", subcore_axis_name="s")
    f = pl.kernel(
        _gather_body,
        out_type=[
            jax.ShapeDtypeStruct((B, D_OUT), jnp.float32),
            jax.ShapeDtypeStruct((B, D_OUT), jnp.float32),
        ],
        mesh=mesh,
        scratch_types=[
            pltpu.VMEM((_TPW,), jnp.int32),
            pltpu.VMEM((_TPW,), jnp.int32),
            pltpu.VMEM((_TPW, D_OUT), jnp.float32),
            pltpu.VMEM((_TPW, D_OUT), jnp.float32),
            pltpu.SemaphoreType.DMA,
            pltpu.SemaphoreType.DMA,
        ],
    )
    return f(ys, pos1, pos2)


def _combine_body(a1_ref, a2_ref, g1_ref, g2_ref, y_ref):
    comb = g1_ref[...] * a1_ref[...] + g2_ref[...] * a2_ref[...]
    y_ref[...] = jnp.log(jnp.where(comb == 0.0, _EPS, comb))


def _combine(a1, a2, g1, g2):
    cb = 512
    return pl.pallas_call(
        _combine_body,
        grid=(B // cb,),
        in_specs=[
            pl.BlockSpec((cb, D_OUT), lambda i: (i, 0)),
            pl.BlockSpec((cb, D_OUT), lambda i: (i, 0)),
            pl.BlockSpec((cb, 1), lambda i: (i, 0)),
            pl.BlockSpec((cb, 1), lambda i: (i, 0)),
        ],
        out_specs=pl.BlockSpec((cb, D_OUT), lambda i: (i, 0)),
        out_shape=jax.ShapeDtypeStruct((B, D_OUT), jnp.float32),
    )(a1, a2, g1, g2)


def _cv_sq(v):
    eps = 1e-10
    return jnp.var(v, ddof=1) / (jnp.mean(v) ** 2 + eps)


@jax.jit
def kernel(x, w_gate, W1, b1, W2, b2):
    g1, g2, pos1, pos2, blk, imp, load = _router(x, w_gate)
    p1 = pos1.reshape(B + _BB)
    p2 = pos2.reshape(B + _BB)
    xs = _scatter_x(x, p1, p2)
    ys = _experts(blk, xs, W1, b1, W2, b2)
    a1, a2 = _gather_ys(ys, p1, p2)
    y = _combine(a1, a2, g1, g2)
    loss = (_cv_sq(imp[0]) + _cv_sq(load[0])) * LOSS_COEF
    return y, loss

# --- scband reference (transcript-rebuilt; emitter-appended) ---
"""Pipeline reference for scband-mo-e-2284922602128 (READ-ONLY COPY).

The authoritative reference and input builder live on the scoring server;
editing this copy changes nothing except your own understanding.
"""

import jax, jax.numpy as jnp
import numpy as np

E = 16
TOPK = 2
D_IN = 768
D_HID = 256
D_OUT = 768
B = 2048
LOSS_COEF = 0.01


def setup_inputs(seed: int = 0):
    key = jax.random.key(seed)
    ks = jax.random.split(key, 6)
    x = jax.random.normal(ks[0], (B, D_IN), dtype=jnp.float32)
    # w_gate is nn.Parameter(zeros) in the original; use small random init so routing is non-degenerate
    w_gate = jax.random.normal(ks[1], (D_IN, E), dtype=jnp.float32) * 0.02
    W1 = jax.random.normal(ks[2], (E, D_IN, D_HID), dtype=jnp.float32) * (1.0 / np.sqrt(D_IN))
    b1 = jnp.zeros((E, D_HID), dtype=jnp.float32)
    W2 = jax.random.normal(ks[3], (E, D_HID, D_OUT), dtype=jnp.float32) * (1.0 / np.sqrt(D_HID))
    b2 = jnp.zeros((E, D_OUT), dtype=jnp.float32)
    return {"x": x, "w_gate": w_gate, "W1": W1, "b1": b1, "W2": W2, "b2": b2}


def _cv_squared(v):
    eps = 1e-10
    if v.shape[0] == 1:
        return jnp.float32(0.0)
    return jnp.var(v, ddof=1) / (jnp.mean(v) ** 2 + eps)


def _forward(x, w_gate, W1, b1, W2, b2):
    # noisy_top_k_gating with noisy_gating=False / eval mode: clean logits only
    logits = x @ w_gate                                   # [B, E]
    top_logits, top_indices = jax.lax.top_k(logits, min(TOPK + 1, E))
    top_k_logits = top_logits[:, :TOPK]
    top_k_indices = top_indices[:, :TOPK]
    top_k_gates = jax.nn.softmax(top_k_logits, axis=1)
    rows = jnp.arange(logits.shape[0])[:, None]
    gates = jnp.zeros_like(logits).at[rows, top_k_indices].set(top_k_gates)  # scatter like torch zeros.scatter
    importance = gates.sum(0)
    load = (gates > 0).astype(jnp.float32).sum(0)         # _gates_to_load
    loss = (_cv_squared(importance) + _cv_squared(load)) * LOSS_COEF
    # Expert MLPs (Linear->relu->Linear->log_softmax). Dense equivalent of
    # SparseDispatcher.dispatch/combine: output[b] = log(sum_e gates[b,e]*exp(expert_e(x[b])))
    # which matches combine() since terms with gate==0 contribute exactly 0.
    h = jax.nn.relu(jnp.einsum('bd,edh->ebh', x, W1) + b1[:, None, :])
    o = jnp.einsum('ebh,eho->ebo', h, W2) + b2[:, None, :]
    log_probs = jax.nn.log_softmax(o, axis=-1)            # MLP log_soft output, [E, B, D_OUT]
    stitched = jnp.exp(log_probs)                         # combine: stitched = cat(expert_out).exp()
    combined = jnp.einsum('ebo,be->bo', stitched, gates)  # mul by gates + index_add
    eps = np.finfo(float).eps
    combined = jnp.where(combined == 0, eps, combined)    # combined[combined==0] = eps
    y = jnp.log(combined)                                 # combined.log()
    return y, loss


def reference(x, w_gate, W1, b1, W2, b2):
    return _forward(x, w_gate, W1, b1, W2, b2)

if __name__ == "__main__":
    import jax
    _d = setup_inputs()
    print(jax.jit(kernel)(*tuple(_d.values())))

</pallas_src>

<mosaic_0001>
#map = affine_map<(d0, d1) -> (0, 0)>
#map1 = affine_map<(d0, d1) -> (0)>
module attributes {stable_mosaic.version = 14 : i64} {
  func.func @_scatter_body(%arg0: i32, %arg1: i32, %arg2: memref<2048x768xf32, #tpu.memory_space<hbm>>, %arg3: memref<2304xi32, #tpu.memory_space<hbm>>, %arg4: memref<2304xi32, #tpu.memory_space<hbm>>, %arg5: memref<6656x768xf32, #tpu.memory_space<hbm>>, %arg6: memref<64xi32, #tpu.memory_space<vmem>>, %arg7: memref<64xi32, #tpu.memory_space<vmem>>, %arg8: memref<64x768xf32, #tpu.memory_space<vmem>>, %arg9: memref<!tpu.dma_semaphore, #tpu.memory_space<semaphore_mem>>, %arg10: memref<!tpu.dma_semaphore, #tpu.memory_space<semaphore_mem>>, %arg11: memref<!tpu.dma_semaphore, #tpu.memory_space<semaphore_mem>>) attributes {dimension_semantics = [#tpu.dimension_semantics<core_parallel>, #tpu.dimension_semantics<subcore_parallel>], iteration_bounds = array<i64: 2, 16>, scalar_prefetch = 0 : i64, scratch_operands = 6 : i64, tpu.core_type = #tpu.core_type<sc_vector_subcore>, window_params = [{transform_indices = #map}, {transform_indices = #map1}, {transform_indices = #map1}, {transform_indices = #map}]} {
    %mul3A = arith.constant 16 : i32
    %mul3A_0 = arith.muli %arg0, %mul3A : i32
    %add3A = arith.addi %mul3A_0, %arg1 : i32
    %mul3A_1 = arith.constant 64 : i32
    %mul3A_2 = arith.muli %add3A, %mul3A_1 : i32
    %multiple_of3A = tpu.assume_multiple %mul3A_2, 16 : i32
    %dma_start3A = tpu.memref_slice %arg3[%multiple_of3A] : memref<2304xi32, #tpu.memory_space<hbm>> -> memref<64xi32, #tpu.memory_space<hbm>>
    %dma_start3A_3 = tpu.memref_slice %arg3[%multiple_of3A] : memref<2304xi32, #tpu.memory_space<hbm>> -> memref<64xi32, #tpu.memory_space<hbm>>
    tpu.enqueue_dma source(%dma_start3A_3 : memref<64xi32, #tpu.memory_space<hbm>>) target(%arg6 : memref<64xi32, #tpu.memory_space<vmem>>) target_semaphore(%arg9 : memref<!tpu.dma_semaphore, #tpu.memory_space<semaphore_mem>>)
    %dma_start3A_4 = tpu.memref_slice %arg4[%multiple_of3A] : memref<2304xi32, #tpu.memory_space<hbm>> -> memref<64xi32, #tpu.memory_space<hbm>>
    %dma_start3A_5 = tpu.memref_slice %arg4[%multiple_of3A] : memref<2304xi32, #tpu.memory_space<hbm>> -> memref<64xi32, #tpu.memory_space<hbm>>
    tpu.enqueue_dma source(%dma_start3A_5 : memref<64xi32, #tpu.memory_space<hbm>>) target(%arg7 : memref<64xi32, #tpu.memory_space<vmem>>) target_semaphore(%arg10 : memref<!tpu.dma_semaphore, #tpu.memory_space<semaphore_mem>>)
    %dma_start3A_6 = arith.constant 0 : i32
    %dma_start3A_7 = tpu.memref_slice %arg2[%multiple_of3A, %dma_start3A_6] : memref<2048x768xf32, #tpu.memory_space<hbm>> -> memref<64x768xf32, #tpu.memory_space<hbm>>
    %dma_start3A_8 = arith.constant 0 : i32
    %dma_start3A_9 = tpu.memref_slice %arg2[%multiple_of3A, %dma_start3A_8] : memref<2048x768xf32, #tpu.memory_space<hbm>> -> memref<64x768xf32, #tpu.memory_space<hbm>>
    tpu.enqueue_dma source(%dma_start3A_9 : memref<64x768xf32, #tpu.memory_space<hbm>>) target(%arg8 : memref<64x768xf32, #tpu.memory_space<vmem>>) target_semaphore(%arg11 : memref<!tpu.dma_semaphore, #tpu.memory_space<semaphore_mem>>)
    %dma_wait3A = tpu.memref_slice %arg3[%multiple_of3A] : memref<2304xi32, #tpu.memory_space<hbm>> -> memref<64xi32, #tpu.memory_space<hbm>>
    %dma_wait3A_10 = tpu.memref_slice %arg3[%multiple_of3A] : memref<2304xi32, #tpu.memory_space<hbm>> -> memref<64xi32, #tpu.memory_space<hbm>>
    tpu.wait_dma2 semaphore(%arg9 : memref<!tpu.dma_semaphore, #tpu.memory_space<semaphore_mem>>) src(%dma_wait3A_10 : memref<64xi32, #tpu.memory_space<hbm>>) dst(%arg6 : memref<64xi32, #tpu.memory_space<vmem>>)
    %dma_wait3A_11 = tpu.memref_slice %arg4[%multiple_of3A] : memref<2304xi32, #tpu.memory_space<hbm>> -> memref<64xi32, #tpu.memory_space<hbm>>
    %dma_wait3A_12 = tpu.memref_slice %arg4[%multiple_of3A] : memref<2304xi32, #tpu.memory_space<hbm>> -> memref<64xi32, #tpu.memory_space<hbm>>
    tpu.wait_dma2 semaphore(%arg10 : memref<!tpu.dma_semaphore, #tpu.memory_space<semaphore_mem>>) src(%dma_wait3A_12 : memref<64xi32, #tpu.memory_space<hbm>>) dst(%arg7 : memref<64xi32, #tpu.memory_space<vmem>>)
    %dma_wait3A_13 = arith.constant 0 : i32
    %dma_wait3A_14 = tpu.memref_slice %arg2[%multiple_of3A, %dma_wait3A_13] : memref<2048x768xf32, #tpu.memory_space<hbm>> -> memref<64x768xf32, #tpu.memory_space<hbm>>
    %dma_wait3A_15 = arith.constant 0 : i32
    %dma_wait3A_16 = tpu.memref_slice %arg2[%multiple_of3A, %dma_wait3A_15] : memref<2048x768xf32, #tpu.memory_space<hbm>> -> memref<64x768xf32, #tpu.memory_space<hbm>>
    tpu.wait_dma2 semaphore(%arg11 : memref<!tpu.dma_semaphore, #tpu.memory_space<semaphore_mem>>) src(%dma_wait3A_16 : memref<64x768xf32, #tpu.memory_space<hbm>>) dst(%arg8 : memref<64x768xf32, #tpu.memory_space<vmem>>)
    %dma_start3A_17 = arith.constant 0 : i32
    %dma_start3A_18 = arith.constant 0 : i32
    %dma_start3A_19 = tpu.memref_slice %arg5[%dma_start3A_17, %dma_start3A_18] : memref<6656x768xf32, #tpu.memory_space<hbm>> -> memref<6656x768xf32, #tpu.memory_space<hbm>>
    tpu.enqueue_indirect_dma source(%arg8 : memref<64x768xf32, #tpu.memory_space<vmem>>) target(%dma_start3A_19 : memref<6656x768xf32, #tpu.memory_space<hbm>>) offsets(%arg6 : memref<64xi32, #tpu.memory_space<vmem>>) semaphore(%arg9 : memref<!tpu.dma_semaphore, #tpu.memory_space<semaphore_mem>>)
    %dma_wait3A_20 = arith.constant 0 : i32
    %dma_wait3A_21 = arith.constant 0 : i32
    %dma_wait3A_22 = tpu.memref_slice %arg5[%dma_wait3A_20, %dma_wait3A_21] : memref<6656x768xf32, #tpu.memory_space<hbm>> -> memref<6656x768xf32, #tpu.memory_space<hbm>>
    tpu.wait_indirect_dma semaphore(%arg9 : memref<!tpu.dma_semaphore, #tpu.memory_space<semaphore_mem>>) src(%arg8 : memref<64x768xf32, #tpu.memory_space<vmem>>) dst(%dma_wait3A_22 : memref<6656x768xf32, #tpu.memory_space<hbm>>)
    %dma_start3A_23 = arith.constant 0 : i32
    %dma_start3A_24 = arith.constant 0 : i32
    %dma_start3A_25 = tpu.memref_slice %arg5[%dma_start3A_23, %dma_start3A_24] : memref<6656x768xf32, #tpu.memory_space<hbm>> -> memref<6656x768xf32, #tpu.memory_space<hbm>>
    tpu.enqueue_indirect_dma source(%arg8 : memref<64x768xf32, #tpu.memory_space<vmem>>) target(%dma_start3A_25 : memref<6656x768xf32, #tpu.memory_space<hbm>>) offsets(%arg7 : memref<64xi32, #tpu.memory_space<vmem>>) semaphore(%arg10 : memref<!tpu.dma_semaphore, #tpu.memory_space<semaphore_mem>>)
    %dma_wait3A_26 = arith.constant 0 : i32
    %dma_wait3A_27 = arith.constant 0 : i32
    %dma_wait3A_28 = tpu.memref_slice %arg5[%dma_wait3A_26, %dma_wait3A_27] : memref<6656x768xf32, #tpu.memory_space<hbm>> -> memref<6656x768xf32, #tpu.memory_space<hbm>>
    tpu.wait_indirect_dma semaphore(%arg10 : memref<!tpu.dma_semaphore, #tpu.memory_space<semaphore_mem>>) src(%arg8 : memref<64x768xf32, #tpu.memory_space<vmem>>) dst(%dma_wait3A_28 : memref<6656x768xf32, #tpu.memory_space<hbm>>)
    return
  }
}

#map = affine_map<(d0, d1) -> (0, 0)>
#map1 = affine_map<(d0, d1) -> (0)>
module attributes {stable_mosaic.version = 14 : i64} {
  func.func @_gather_body(%arg0: i32, %arg1: i32, %arg2: memref<6784x768xf32, #tpu.memory_space<hbm>>, %arg3: memref<2304xi32, #tpu.memory_space<hbm>>, %arg4: memref<2304xi32, #tpu.memory_space<hbm>>, %arg5: memref<2048x768xf32, #tpu.memory_space<hbm>>, %arg6: memref<2048x768xf32, #tpu.memory_space<hbm>>, %arg7: memref<64xi32, #tpu.memory_space<vmem>>, %arg8: memref<64xi32, #tpu.memory_space<vmem>>, %arg9: memref<64x768xf32, #tpu.memory_space<vmem>>, %arg10: memref<64x768xf32, #tpu.memory_space<vmem>>, %arg11: memref<!tpu.dma_semaphore, #tpu.memory_space<semaphore_mem>>, %arg12: memref<!tpu.dma_semaphore, #tpu.memory_space<semaphore_mem>>) attributes {dimension_semantics = [#tpu.dimension_semantics<core_parallel>, #tpu.dimension_semantics<subcore_parallel>], iteration_bounds = array<i64: 2, 16>, scalar_prefetch = 0 : i64, scratch_operands = 6 : i64, tpu.core_type = #tpu.core_type<sc_vector_subcore>, window_params = [{transform_indices = #map}, {transform_indices = #map1}, {transform_indices = #map1}, {transform_indices = #map}, {transform_indices = #map}]} {
    %mul3A = arith.constant 16 : i32
    %mul3A_0 = arith.muli %arg0, %mul3A : i32
    %add3A = arith.addi %mul3A_0, %arg1 : i32
    %mul3A_1 = arith.constant 64 : i32
    %mul3A_2 = arith.muli %add3A, %mul3A_1 : i32
    %multiple_of3A = tpu.assume_multiple %mul3A_2, 16 : i32
    %dma_start3A = tpu.memref_slice %arg3[%multiple_of3A] : memref<2304xi32, #tpu.memory_space<hbm>> -> memref<64xi32, #tpu.memory_space<hbm>>
    %dma_start3A_3 = tpu.memref_slice %arg3[%multiple_of3A] : memref<2304xi32, #tpu.memory_space<hbm>> -> memref<64xi32, #tpu.memory_space<hbm>>
    tpu.enqueue_dma source(%dma_start3A_3 : memref<64xi32, #tpu.memory_space<hbm>>) target(%arg7 : memref<64xi32, #tpu.memory_space<vmem>>) target_semaphore(%arg11 : memref<!tpu.dma_semaphore, #tpu.memory_space<semaphore_mem>>)
    %dma_start3A_4 = tpu.memref_slice %arg4[%multiple_of3A] : memref<2304xi32, #tpu.memory_space<hbm>> -> memref<64xi32, #tpu.memory_space<hbm>>
    %dma_start3A_5 = tpu.memref_slice %arg4[%multiple_of3A] : memref<2304xi32, #tpu.memory_space<hbm>> -> memref<64xi32, #tpu.memory_space<hbm>>
    tpu.enqueue_dma source(%dma_start3A_5 : memref<64xi32, #tpu.memory_space<hbm>>) target(%arg8 : memref<64xi32, #tpu.memory_space<vmem>>) target_semaphore(%arg12 : memref<!tpu.dma_semaphore, #tpu.memory_space<semaphore_mem>>)
    %dma_wait3A = tpu.memref_slice %arg3[%multiple_of3A] : memref<2304xi32, #tpu.memory_space<hbm>> -> memref<64xi32, #tpu.memory_space<hbm>>
    %dma_wait3A_6 = tpu.memref_slice %arg3[%multiple_of3A] : memref<2304xi32, #tpu.memory_space<hbm>> -> memref<64xi32, #tpu.memory_space<hbm>>
    tpu.wait_dma2 semaphore(%arg11 : memref<!tpu.dma_semaphore, #tpu.memory_space<semaphore_mem>>) src(%dma_wait3A_6 : memref<64xi32, #tpu.memory_space<hbm>>) dst(%arg7 : memref<64xi32, #tpu.memory_space<vmem>>)
    %dma_wait3A_7 = tpu.memref_slice %arg4[%multiple_of3A] : memref<2304xi32, #tpu.memory_space<hbm>> -> memref<64xi32, #tpu.memory_space<hbm>>
    %dma_wait3A_8 = tpu.memref_slice %arg4[%multiple_of3A] : memref<2304xi32, #tpu.memory_space<hbm>> -> memref<64xi32, #tpu.memory_space<hbm>>
    tpu.wait_dma2 semaphore(%arg12 : memref<!tpu.dma_semaphore, #tpu.memory_space<semaphore_mem>>) src(%dma_wait3A_8 : memref<64xi32, #tpu.memory_space<hbm>>) dst(%arg8 : memref<64xi32, #tpu.memory_space<vmem>>)
    %dma_start3A_9 = arith.constant 0 : i32
    %dma_start3A_10 = arith.constant 0 : i32
    %dma_start3A_11 = tpu.memref_slice %arg2[%dma_start3A_9, %dma_start3A_10] : memref<6784x768xf32, #tpu.memory_space<hbm>> -> memref<6784x768xf32, #tpu.memory_space<hbm>>
    tpu.enqueue_indirect_dma source(%dma_start3A_11 : memref<6784x768xf32, #tpu.memory_space<hbm>>) target(%arg9 : memref<64x768xf32, #tpu.memory_space<vmem>>) offsets(%arg7 : memref<64xi32, #tpu.memory_space<vmem>>) semaphore(%arg11 : memref<!tpu.dma_semaphore, #tpu.memory_space<semaphore_mem>>)
    %dma_start3A_12 = arith.constant 0 : i32
    %dma_start3A_13 = arith.constant 0 : i32
    %dma_start3A_14 = tpu.memref_slice %arg2[%dma_start3A_12, %dma_start3A_13] : memref<6784x768xf32, #tpu.memory_space<hbm>> -> memref<6784x768xf32, #tpu.memory_space<hbm>>
    tpu.enqueue_indirect_dma source(%dma_start3A_14 : memref<6784x768xf32, #tpu.memory_space<hbm>>) target(%arg10 : memref<64x768xf32, #tpu.memory_space<vmem>>) offsets(%arg8 : memref<64xi32, #tpu.memory_space<vmem>>) semaphore(%arg12 : memref<!tpu.dma_semaphore, #tpu.memory_space<semaphore_mem>>)
    %dma_wait3A_15 = arith.constant 0 : i32
    %dma_wait3A_16 = arith.constant 0 : i32
    %dma_wait3A_17 = tpu.memref_slice %arg2[%dma_wait3A_15, %dma_wait3A_16] : memref<6784x768xf32, #tpu.memory_space<hbm>> -> memref<6784x768xf32, #tpu.memory_space<hbm>>
    tpu.wait_indirect_dma semaphore(%arg11 : memref<!tpu.dma_semaphore, #tpu.memory_space<semaphore_mem>>) src(%dma_wait3A_17 : memref<6784x768xf32, #tpu.memory_space<hbm>>) dst(%arg9 : memref<64x768xf32, #tpu.memory_space<vmem>>)
    %dma_wait3A_18 = arith.constant 0 : i32
    %dma_wait3A_19 = arith.constant 0 : i32
    %dma_wait3A_20 = tpu.memref_slice %arg2[%dma_wait3A_18, %dma_wait3A_19] : memref<6784x768xf32, #tpu.memory_space<hbm>> -> memref<6784x768xf32, #tpu.memory_space<hbm>>
    tpu.wait_indirect_dma semaphore(%arg12 : memref<!tpu.dma_semaphore, #tpu.memory_space<semaphore_mem>>) src(%dma_wait3A_20 : memref<6784x768xf32, #tpu.memory_space<hbm>>) dst(%arg10 : memref<64x768xf32, #tpu.memory_space<vmem>>)
    %dma_start3A_21 = arith.constant 0 : i32
    %dma_start3A_22 = tpu.memref_slice %arg5[%multiple_of3A, %dma_start3A_21] : memref<2048x768xf32, #tpu.memory_space<hbm>> -> memref<64x768xf32, #tpu.memory_space<hbm>>
    %dma_start3A_23 = arith.constant 0 : i32
    %dma_start3A_24 = tpu.memref_slice %arg5[%multiple_of3A, %dma_start3A_23] : memref<2048x768xf32, #tpu.memory_space<hbm>> -> memref<64x768xf32, #tpu.memory_space<hbm>>
    tpu.enqueue_dma source(%arg9 : memref<64x768xf32, #tpu.memory_space<vmem>>) target(%dma_start3A_24 : memref<64x768xf32, #tpu.memory_space<hbm>>) target_semaphore(%arg11 : memref<!tpu.dma_semaphore, #tpu.memory_space<semaphore_mem>>)
    %dma_start3A_25 = arith.constant 0 : i32
    %dma_start3A_26 = tpu.memref_slice %arg6[%multiple_of3A, %dma_start3A_25] : memref<2048x768xf32, #tpu.memory_space<hbm>> -> memref<64x768xf32, #tpu.memory_space<hbm>>
    %dma_start3A_27 = arith.constant 0 : i32
    %dma_start3A_28 = tpu.memref_slice %arg6[%multiple_of3A, %dma_start3A_27] : memref<2048x768xf32, #tpu.memory_space<hbm>> -> memref<64x768xf32, #tpu.memory_space<hbm>>
    tpu.enqueue_dma source(%arg10 : memref<64x768xf32, #tpu.memory_space<vmem>>) target(%dma_start3A_28 : memref<64x768xf32, #tpu.memory_space<hbm>>) target_semaphore(%arg12 : memref<!tpu.dma_semaphore, #tpu.memory_space<semaphore_mem>>)
    %dma_wait3A_29 = arith.constant 0 : i32
    %dma_wait3A_30 = tpu.memref_slice %arg5[%multiple_of3A, %dma_wait3A_29] : memref<2048x768xf32, #tpu.memory_space<hbm>> -> memref<64x768xf32, #tpu.memory_space<hbm>>
    %dma_wait3A_31 = arith.constant 0 : i32
    %dma_wait3A_32 = tpu.memref_slice %arg5[%multiple_of3A, %dma_wait3A_31] : memref<2048x768xf32, #tpu.memory_space<hbm>> -> memref<64x768xf32, #tpu.memory_space<hbm>>
    tpu.wait_dma2 semaphore(%arg11 : memref<!tpu.dma_semaphore, #tpu.memory_space<semaphore_mem>>) src(%arg9 : memref<64x768xf32, #tpu.memory_space<vmem>>) dst(%dma_wait3A_32 : memref<64x768xf32, #tpu.memory_space<hbm>>)
    %dma_wait3A_33 = arith.constant 0 : i32
    %dma_wait3A_34 = tpu.memref_slice %arg6[%multiple_of3A, %dma_wait3A_33] : memref<2048x768xf32, #tpu.memory_space<hbm>> -> memref<64x768xf32, #tpu.memory_space<hbm>>
    %dma_wait3A_35 = arith.constant 0 : i32
    %dma_wait3A_36 = tpu.memref_slice %arg6[%multiple_of3A, %dma_wait3A_35] : memref<2048x768xf32, #tpu.memory_space<hbm>> -> memref<64x768xf32, #tpu.memory_space<hbm>>
    tpu.wait_dma2 semaphore(%arg12 : memref<!tpu.dma_semaphore, #tpu.memory_space<semaphore_mem>>) src(%arg10 : memref<64x768xf32, #tpu.memory_space<vmem>>) dst(%dma_wait3A_36 : memref<64x768xf32, #tpu.memory_space<hbm>>)
    return
  }
}

module attributes {stable_mosaic.version = 14 : i64} {
  func.func @_router_body(%arg0: i32, %arg1: i32, %arg2: memref<256x768xf32, #tpu.memory_space<vmem>>, %arg3: memref<768x16xf32, #tpu.memory_space<vmem>>, %arg4: memref<256x1xf32, #tpu.memory_space<vmem>>, %arg5: memref<256x1xf32, #tpu.memory_space<vmem>>, %arg6: memref<256x1xi32, #tpu.memory_space<vmem>>, %arg7: memref<256x1xi32, #tpu.memory_space<vmem>>, %arg8: memref<64x2xi32, #tpu.memory_space<vmem>>, %arg9: memref<1x16xf32, #tpu.memory_space<vmem>>, %arg10: memref<1x16xf32, #tpu.memory_space<vmem>>, %arg11: memref<2048x1xi32, #tpu.memory_space<vmem>>, %arg12: memref<2048x1xi32, #tpu.memory_space<vmem>>, %arg13: memref<2x1x16xf32, #tpu.memory_space<vmem>>, %arg14: memref<2x1x16xf32, #tpu.memory_space<vmem>>, %arg15: memref<1x16xf32, #tpu.memory_space<vmem>>, %arg16: memref<1x16xf32, #tpu.memory_space<vmem>>) attributes {dimension_semantics = [#tpu.dimension_semantics<arbitrary>, #tpu.dimension_semantics<arbitrary>], iteration_bounds = array<i64: 2, 8>, scalar_prefetch = 0 : i64, scratch_operands = 6 : i64, tpu.core_type = #tpu.core_type<tc>, window_params = [{transform_indices = @transform_0, window_bounds = array<i64: 256, 768>}, {pipeline_mode = #tpu.pipeline_mode<synchronous>, transform_indices = @transform_1, window_bounds = array<i64: 768, 16>}, {transform_indices = @transform_2, window_bounds = array<i64: 256, 1>}, {transform_indices = @transform_3, window_bounds = array<i64: 256, 1>}, {transform_indices = @transform_4, window_bounds = array<i64: 256, 1>}, {transform_indices = @transform_5, window_bounds = array<i64: 256, 1>}, {pipeline_mode = #tpu.pipeline_mode<synchronous>, transform_indices = @transform_6, window_bounds = array<i64: 64, 2>}, {pipeline_mode = #tpu.pipeline_mode<synchronous>, transform_indices = @transform_7, window_bounds = array<i64: 1, 16>}, {pipeline_mode = #tpu.pipeline_mode<synchronous>, transform_indices = @transform_8, window_bounds = array<i64: 1, 16>}]} {
    %iota3A = tpu.iota {dimensions = array<i32: 1>} : vector<256x16xi32>
    %jit3A = arith.constant 4 : i32
    %div3A = arith.divsi %arg1, %jit3A : i32
    %sign3A = arith.constant 0 : i32
    %sign3A_0 = arith.cmpi sgt, %arg1, %sign3A : i32
    %sign3A_1 = arith.extui %sign3A_0 : i1 to i32
    %sign3A_2 = arith.constant 0 : i32
    %sign3A_3 = arith.cmpi slt, %arg1, %sign3A_2 : i32
    %sign3A_4 = arith.extui %sign3A_3 : i1 to i32
    %sign3A_5 = arith.subi %sign3A_1, %sign3A_4 : i32
    %sign3A_6 = arith.constant 0 : i32
    %sign3A_7 = arith.cmpi sgt, %jit3A, %sign3A_6 : i32
    %sign3A_8 = arith.extui %sign3A_7 : i1 to i32
    %sign3A_9 = arith.constant 0 : i32
    %sign3A_10 = arith.cmpi slt, %jit3A, %sign3A_9 : i32
    %sign3A_11 = arith.extui %sign3A_10 : i1 to i32
    %sign3A_12 = arith.subi %sign3A_8, %sign3A_11 : i32
    %ne3A = arith.cmpi ne, %sign3A_5, %sign3A_12 : i32
    %rem3A = arith.remsi %arg1, %jit3A : i32
    %ne3A_13 = arith.constant 0 : i32
    %ne3A_14 = arith.cmpi ne, %rem3A, %ne3A_13 : i32
    %and3A = arith.andi %ne3A, %ne3A_14 : i1
    %sub3A = arith.constant 1 : i32
    %sub3A_15 = arith.subi %div3A, %sub3A : i32
    %select_n3A = arith.select %and3A, %sub3A_15, %div3A : i32
    %eq3A = arith.constant 0 : i32
    %eq3A_16 = arith.cmpi eq, %arg0, %eq3A : i32
    %eq3A_17 = arith.constant 0 : i32
    %eq3A_18 = arith.cmpi eq, %arg1, %eq3A_17 : i32
    %and3A_19 = arith.andi %eq3A_16, %eq3A_18 : i1
    %convert_element_type3A = arith.extui %and3A_19 : i1 to i32
    %cond3A = arith.constant 0 : i32
    %cond3A_20 = arith.cmpi ne, %convert_element_type3A, %cond3A : i32
    scf.if %cond3A_20 {
      %broadcast_in_dim3A = arith.constant 0.000000e+00 : f32
      %broadcast_in_dim3A_31 = vector.broadcast %broadcast_in_dim3A : f32 to vector<1x16xf32>
      %swap3A = arith.constant 0 : index
      %swap3A_32 = arith.constant 0 : index
      %swap3A_33 = vector.load %arg9[%swap3A, %swap3A_32] : memref<1x16xf32, #tpu.memory_space<vmem>>, vector<1x16xf32>
      tpu.vector_store %arg9[%swap3A, %swap3A_32], %broadcast_in_dim3A_31 {strides = array<i32>} : memref<1x16xf32, #tpu.memory_space<vmem>>, vector<1x16xf32>,
      %broadcast_in_dim3A_34 = arith.constant 0.000000e+00 : f32
      %broadcast_in_dim3A_35 = vector.broadcast %broadcast_in_dim3A_34 : f32 to vector<1x16xf32>
      %swap3A_36 = arith.constant 0 : index
      %swap3A_37 = arith.constant 0 : index
      %swap3A_38 = vector.load %arg10[%swap3A_36, %swap3A_37] : memref<1x16xf32, #tpu.memory_space<vmem>>, vector<1x16xf32>
      tpu.vector_store %arg10[%swap3A_36, %swap3A_37], %broadcast_in_dim3A_35 {strides = array<i32>} : memref<1x16xf32, #tpu.memory_space<vmem>>, vector<1x16xf32>,
      %broadcast_in_dim3A_39 = arith.constant 0.000000e+00 : f32
      %broadcast_in_dim3A_40 = vector.broadcast %broadcast_in_dim3A_39 : f32 to vector<2x1x16xf32>
      %swap3A_41 = arith.constant 0 : index
      %swap3A_42 = arith.constant 0 : index
      %swap3A_43 = arith.constant 0 : index
      %swap3A_44 = vector.load %arg13[%swap3A_41, %swap3A_42, %swap3A_43] : memref<2x1x16xf32, #tpu.memory_space<vmem>>, vector<2x1x16xf32>
      tpu.vector_store %arg13[%swap3A_41, %swap3A_42, %swap3A_43], %broadcast_in_dim3A_40 {strides = array<i32>} : memref<2x1x16xf32, #tpu.memory_space<vmem>>, vector<2x1x16xf32>,
      %broadcast_in_dim3A_45 = arith.constant 0.000000e+00 : f32
      %broadcast_in_dim3A_46 = vector.broadcast %broadcast_in_dim3A_45 : f32 to vector<2x1x16xf32>
      %swap3A_47 = arith.constant 0 : index
      %swap3A_48 = arith.constant 0 : index
      %swap3A_49 = arith.constant 0 : index
      %swap3A_50 = vector.load %arg14[%swap3A_47, %swap3A_48, %swap3A_49] : memref<2x1x16xf32, #tpu.memory_space<vmem>>, vector<2x1x16xf32>
      tpu.vector_store %arg14[%swap3A_47, %swap3A_48, %swap3A_49], %broadcast_in_dim3A_46 {strides = array<i32>} : memref<2x1x16xf32, #tpu.memory_space<vmem>>, vector<2x1x16xf32>,
    } else {
    }
    %eq3A_21 = arith.constant 0 : i32
    %eq3A_22 = arith.cmpi eq, %arg0, %eq3A_21 : i32
    %convert_element_type3A_23 = arith.extui %eq3A_22 : i1 to i32
    %cond3A_24 = arith.constant 0 : i32
    %cond3A_25 = arith.cmpi ne, %convert_element_type3A_23, %cond3A_24 : i32
    scf.if %cond3A_25 {
      %get3A = arith.constant 0 : index
      %get3A_31 = arith.constant 0 : index
      %get3A_32 = vector.load %arg2[%get3A, %get3A_31] : memref<256x768xf32, #tpu.memory_space<vmem>>, vector<256x768xf32>
      %get3A_33 = arith.constant 0 : index
      %get3A_34 = arith.constant 0 : index
      %get3A_35 = vector.load %arg3[%get3A_33, %get3A_34] : memref<768x16xf32, #tpu.memory_space<vmem>>, vector<768x16xf32>
      %dot_general3A = arith.constant dense<0.000000e+00> : vector<256x16xf32>
      %dot_general3A_36 = tpu.matmul %get3A_32, %get3A_35, %dot_general3A {dimension_numbers = #tpu.dot_dimension_numbers<[1], [0], [0], [1], [0, 0, 1, 1], [], []>, transpose_lhs_hint = false} : vector<256x768xf32>, vector<768x16xf32>, vector<256x16xf32> -> vector<256x16xf32>
      %reduce_max3A = arith.constant dense<0xFF800000> : vector<256xf32>
      %reduce_max3A_37 = vector.multi_reduction <maximumf>, %dot_general3A_36, %reduce_max3A [1] : vector<256x16xf32> to vector<256xf32>
      %broadcast_in_dim3A = vector.shape_cast %reduce_max3A_37 : vector<256xf32> to vector<256x1xf32>
      %eq3A_38 = vector.broadcast %broadcast_in_dim3A : vector<256x1xf32> to vector<256x16xf32>
      %eq3A_39 = arith.cmpf oeq, %dot_general3A_36, %eq3A_38 : vector<256x16xf32>
      %jit3A_40 = arith.constant 16 : i32
      %broadcast_in_dim3A_41 = vector.broadcast %jit3A_40 : i32 to vector<256x16xi32>
      %select_n3A_42 = arith.select %eq3A_39, %iota3A, %broadcast_in_dim3A_41 : vector<256x16xi1>, vector<256x16xi32>
      %reduce_min3A = arith.constant dense<2147483647> : vector<256xi32>
      %reduce_min3A_43 = vector.multi_reduction <minsi>, %select_n3A_42, %reduce_min3A [1] : vector<256x16xi32> to vector<256xi32>
      %broadcast_in_dim3A_44 = vector.shape_cast %reduce_min3A_43 : vector<256xi32> to vector<256x1xi32>
      %eq3A_45 = vector.broadcast %broadcast_in_dim3A_44 : vector<256x1xi32> to vector<256x16xi32>
      %eq3A_46 = arith.cmpi eq, %iota3A, %eq3A_45 : vector<256x16xi32>
      %jit3A_47 = arith.constant 0xFF800000 : f32
      %broadcast_in_dim3A_48 = vector.broadcast %jit3A_47 : f32 to vector<256x16xf32>
      %select_n3A_49 = arith.select %eq3A_46, %broadcast_in_dim3A_48, %dot_general3A_36 : vector<256x16xi1>, vector<256x16xf32>
      %reduce_max3A_50 = arith.constant dense<0xFF800000> : vector<256xf32>
      %reduce_max3A_51 = vector.multi_reduction <maximumf>, %select_n3A_49, %reduce_max3A_50 [1] : vector<256x16xf32> to vector<256xf32>
      %broadcast_in_dim3A_52 = vector.shape_cast %reduce_max3A_51 : vector<256xf32> to vector<256x1xf32>
      %eq3A_53 = vector.broadcast %broadcast_in_dim3A_52 : vector<256x1xf32> to vector<256x16xf32>
      %eq3A_54 = arith.cmpf oeq, %select_n3A_49, %eq3A_53 : vector<256x16xf32>
      %jit3A_55 = arith.constant 16 : i32
      %broadcast_in_dim3A_56 = vector.broadcast %jit3A_55 : i32 to vector<256x16xi32>
      %select_n3A_57 = arith.select %eq3A_54, %iota3A, %broadcast_in_dim3A_56 : vector<256x16xi1>, vector<256x16xi32>
      %reduce_min3A_58 = arith.constant dense<2147483647> : vector<256xi32>
      %reduce_min3A_59 = vector.multi_reduction <minsi>, %select_n3A_57, %reduce_min3A_58 [1] : vector<256x16xi32> to vector<256xi32>
      %broadcast_in_dim3A_60 = vector.shape_cast %reduce_min3A_59 : vector<256xi32> to vector<256x1xi32>
      %eq3A_61 = vector.broadcast %broadcast_in_dim3A_60 : vector<256x1xi32> to vector<256x16xi32>
      %eq3A_62 = arith.cmpi eq, %iota3A, %eq3A_61 : vector<256x16xi32>
      %sub3A_63 = arith.subf %broadcast_in_dim3A_52, %broadcast_in_dim3A : vector<256x1xf32>
      %exp3A = math.exp %sub3A_63 : vector<256x1xf32>
      %add3A = arith.constant 1.000000e+00 : f32
      %add3A_64 = vector.broadcast %add3A : f32 to vector<256x1xf32>
      %add3A_65 = arith.addf %add3A_64, %exp3A : vector<256x1xf32>
      %div3A_66 = arith.constant 1.000000e+00 : f32
      %div3A_67 = vector.broadcast %div3A_66 : f32 to vector<256x1xf32>
      %div3A_68 = arith.divf %div3A_67, %add3A_65 : vector<256x1xf32>
      %add3A_69 = arith.constant 1.000000e+00 : f32
      %add3A_70 = vector.broadcast %add3A_69 : f32 to vector<256x1xf32>
      %add3A_71 = arith.addf %add3A_70, %exp3A : vector<256x1xf32>
      %div3A_72 = arith.divf %exp3A, %add3A_71 : vector<256x1xf32>
      %swap3A = arith.constant 0 : index
      %swap3A_73 = arith.constant 0 : index
      %swap3A_74 = vector.load %arg4[%swap3A, %swap3A_73] : memref<256x1xf32, #tpu.memory_space<vmem>>, vector<256x1xf32>
      tpu.vector_store %arg4[%swap3A, %swap3A_73], %div3A_68 {strides = array<i32>} : memref<256x1xf32, #tpu.memory_space<vmem>>, vector<256x1xf32>,
      %swap3A_75 = arith.constant 0 : index
      %swap3A_76 = arith.constant 0 : index
      %swap3A_77 = vector.load %arg5[%swap3A_75, %swap3A_76] : memref<256x1xf32, #tpu.memory_space<vmem>>, vector<256x1xf32>
      tpu.vector_store %arg5[%swap3A_75, %swap3A_76], %div3A_72 {strides = array<i32>} : memref<256x1xf32, #tpu.memory_space<vmem>>, vector<256x1xf32>,
      %mul3A = arith.constant 256 : i32
      %mul3A_78 = arith.muli %arg1, %mul3A : i32
      %swap3A_79 = arith.index_cast %mul3A_78 : i32 to index
      %swap3A_80 = arith.constant 0 : index
      %swap3A_81 = vector.load %arg11[%swap3A_79, %swap3A_80] : memref<2048x1xi32, #tpu.memory_space<vmem>>, vector<256x1xi32>
      tpu.vector_store %arg11[%swap3A_79, %swap3A_80], %broadcast_in_dim3A_44 {strides = array<i32>} : memref<2048x1xi32, #tpu.memory_space<vmem>>, vector<256x1xi32>,
      %mul3A_82 = arith.constant 256 : i32
      %mul3A_83 = arith.muli %arg1, %mul3A_82 : i32
      %swap3A_84 = arith.index_cast %mul3A_83 : i32 to index
      %swap3A_85 = arith.constant 0 : index
      %swap3A_86 = vector.load %arg12[%swap3A_84, %swap3A_85] : memref<2048x1xi32, #tpu.memory_space<vmem>>, vector<256x1xi32>
      tpu.vector_store %arg12[%swap3A_84, %swap3A_85], %broadcast_in_dim3A_60 {strides = array<i32>} : memref<2048x1xi32, #tpu.memory_space<vmem>>, vector<256x1xi32>,
      %convert_element_type3A_87 = arith.extui %eq3A_46 : vector<256x16xi1> to vector<256x16xi32>
      %convert_element_type3A_88 = arith.sitofp %convert_element_type3A_87 : vector<256x16xi32> to vector<256x16xf32>
      %convert_element_type3A_89 = arith.extui %eq3A_62 : vector<256x16xi1> to vector<256x16xi32>
      %convert_element_type3A_90 = arith.sitofp %convert_element_type3A_89 : vector<256x16xi32> to vector<256x16xf32>
      %get3A_91 = arith.index_cast %select_n3A : i32 to index
      %get3A_92 = arith.constant 0 : index
      %get3A_93 = arith.constant 0 : index
      %get3A_94 = vector.load %arg13[%get3A_91, %get3A_92, %get3A_93] : memref<2x1x16xf32, #tpu.memory_space<vmem>>, vector<1x1x16xf32>
      %add3A_95 = arith.addf %convert_element_type3A_88, %convert_element_type3A_90 : vector<256x16xf32>
      %reduce_sum3A = arith.constant dense<0.000000e+00> : vector<16xf32>
      %reduce_sum3A_96 = vector.multi_reduction <add>, %add3A_95, %reduce_sum3A [0] : vector<256x16xf32> to vector<16xf32>
      %broadcast_in_dim3A_97 = vector.shape_cast %reduce_sum3A_96 : vector<16xf32> to vector<1x16xf32>
      %broadcast_in_dim3A_98 = vector.shape_cast %broadcast_in_dim3A_97 : vector<1x16xf32> to vector<1x1x16xf32>
      %add3A_99 = arith.addf %get3A_94, %broadcast_in_dim3A_98 : vector<1x1x16xf32>
      %swap3A_100 = arith.index_cast %select_n3A : i32 to index
      %swap3A_101 = arith.constant 0 : index
      %swap3A_102 = arith.constant 0 : index
      %swap3A_103 = vector.load %arg13[%swap3A_100, %swap3A_101, %swap3A_102] : memref<2x1x16xf32, #tpu.memory_space<vmem>>, vector<1x1x16xf32>
      tpu.vector_store %arg13[%swap3A_100, %swap3A_101, %swap3A_102], %add3A_99 {strides = array<i32>} : memref<2x1x16xf32, #tpu.memory_space<vmem>>, vector<1x1x16xf32>,
      %get3A_104 = arith.index_cast %select_n3A : i32 to index
      %get3A_105 = arith.constant 0 : index
      %get3A_106 = arith.constant 0 : index
      %get3A_107 = vector.load %arg14[%get3A_104, %get3A_105, %get3A_106] : memref<2x1x16xf32, #tpu.memory_space<vmem>>, vector<1x1x16xf32>
      %reduce_sum3A_108 = arith.constant dense<0.000000e+00> : vector<16xf32>
      %reduce_sum3A_109 = vector.multi_reduction <add>, %convert_element_type3A_88, %reduce_sum3A_108 [0] : vector<256x16xf32> to vector<16xf32>
      %broadcast_in_dim3A_110 = vector.shape_cast %reduce_sum3A_109 : vector<16xf32> to vector<1x16xf32>
      %broadcast_in_dim3A_111 = vector.shape_cast %broadcast_in_dim3A_110 : vector<1x16xf32> to vector<1x1x16xf32>
      %add3A_112 = arith.addf %get3A_107, %broadcast_in_dim3A_111 : vector<1x1x16xf32>
      %swap3A_113 = arith.index_cast %select_n3A : i32 to index
      %swap3A_114 = arith.constant 0 : index
      %swap3A_115 = arith.constant 0 : index
      %swap3A_116 = vector.load %arg14[%swap3A_113, %swap3A_114, %swap3A_115] : memref<2x1x16xf32, #tpu.memory_space<vmem>>, vector<1x1x16xf32>
      tpu.vector_store %arg14[%swap3A_113, %swap3A_114, %swap3A_115], %add3A_112 {strides = array<i32>} : memref<2x1x16xf32, #tpu.memory_space<vmem>>, vector<1x1x16xf32>,
      %jit3A_117 = arith.constant 0.000000e+00 : f32
      %broadcast_in_dim3A_118 = vector.shape_cast %div3A_68 : vector<256x1xf32> to vector<256x1xf32>
      %broadcast_in_dim3A_119 = vector.broadcast %broadcast_in_dim3A_118 : vector<256x1xf32> to vector<256x16xf32>
      %broadcast_in_dim3A_120 = vector.broadcast %jit3A_117 : f32 to vector<256x16xf32>
      %select_n3A_121 = arith.select %eq3A_46, %broadcast_in_dim3A_119, %broadcast_in_dim3A_120 : vector<256x16xi1>, vector<256x16xf32>
      %jit3A_122 = arith.constant 0.000000e+00 : f32
      %broadcast_in_dim3A_123 = vector.shape_cast %div3A_72 : vector<256x1xf32> to vector<256x1xf32>
      %broadcast_in_dim3A_124 = vector.broadcast %broadcast_in_dim3A_123 : vector<256x1xf32> to vector<256x16xf32>
      %broadcast_in_dim3A_125 = vector.broadcast %jit3A_122 : f32 to vector<256x16xf32>
      %select_n3A_126 = arith.select %eq3A_62, %broadcast_in_dim3A_124, %broadcast_in_dim3A_125 : vector<256x16xi1>, vector<256x16xf32>
      %add3A_127 = arith.addf %select_n3A_121, %select_n3A_126 : vector<256x16xf32>
      %get3A_128 = arith.constant 0 : index
      %get3A_129 = arith.constant 0 : index
      %get3A_130 = vector.load %arg9[%get3A_128, %get3A_129] : memref<1x16xf32, #tpu.memory_space<vmem>>, vector<1x16xf32>
      %reduce_sum3A_131 = arith.constant dense<0.000000e+00> : vector<16xf32>
      %reduce_sum3A_132 = vector.multi_reduction <add>, %add3A_127, %reduce_sum3A_131 [0] : vector<256x16xf32> to vector<16xf32>
      %broadcast_in_dim3A_133 = vector.shape_cast %reduce_sum3A_132 : vector<16xf32> to vector<1x16xf32>
      %add3A_134 = arith.addf %get3A_130, %broadcast_in_dim3A_133 : vector<1x16xf32>
      %swap3A_135 = arith.constant 0 : index
      %swap3A_136 = arith.constant 0 : index
      %swap3A_137 = vector.load %arg9[%swap3A_135, %swap3A_136] : memref<1x16xf32, #tpu.memory_space<vmem>>, vector<1x16xf32>
      tpu.vector_store %arg9[%swap3A_135, %swap3A_136], %add3A_134 {strides = array<i32>} : memref<1x16xf32, #tpu.memory_space<vmem>>, vector<1x16xf32>,
      %get3A_138 = arith.constant 0 : index
      %get3A_139 = arith.constant 0 : index
      %get3A_140 = vector.load %arg10[%get3A_138, %get3A_139] : memref<1x16xf32, #tpu.memory_space<vmem>>, vector<1x16xf32>
      %gt3A = arith.constant 0.000000e+00 : f32
      %gt3A_141 = vector.broadcast %gt3A : f32 to vector<256x16xf32>
      %gt3A_142 = arith.cmpf ogt, %add3A_127, %gt3A_141 : vector<256x16xf32>
      %convert_element_type3A_143 = arith.extui %gt3A_142 : vector<256x16xi1> to vector<256x16xi32>
      %convert_element_type3A_144 = arith.sitofp %convert_element_type3A_143 : vector<256x16xi32> to vector<256x16xf32>
      %reduce_sum3A_145 = arith.constant dense<0.000000e+00> : vector<16xf32>
      %reduce_sum3A_146 = vector.multi_reduction <add>, %convert_element_type3A_144, %reduce_sum3A_145 [0] : vector<256x16xf32> to vector<16xf32>
      %broadcast_in_dim3A_147 = vector.shape_cast %reduce_sum3A_146 : vector<16xf32> to vector<1x16xf32>
      %add3A_148 = arith.addf %get3A_140, %broadcast_in_dim3A_147 : vector<1x16xf32>
      %swap3A_149 = arith.constant 0 : index
      %swap3A_150 = arith.constant 0 : index
      %swap3A_151 = vector.load %arg10[%swap3A_149, %swap3A_150] : memref<1x16xf32, #tpu.memory_space<vmem>>, vector<1x16xf32>
      tpu.vector_store %arg10[%swap3A_149, %swap3A_150], %add3A_148 {strides = array<i32>} : memref<1x16xf32, #tpu.memory_space<vmem>>, vector<1x16xf32>,
    } else {
    }
    %eq3A_26 = arith.constant 1 : i32
    %eq3A_27 = arith.cmpi eq, %arg0, %eq3A_26 : i32
    %convert_element_type3A_28 = arith.extui %eq3A_27 : i1 to i32
    %cond3A_29 = arith.constant 0 : i32
    %cond3A_30 = arith.cmpi ne, %convert_element_type3A_28, %cond3A_29 : i32
    scf.if %cond3A_30 {
      %jit3A_31 = arith.constant 4 : i32
      %eq3A_32 = arith.constant 0 : i32
      %eq3A_33 = arith.cmpi eq, %jit3A_31, %eq3A_32 : i32
      %jit3A_34 = arith.constant 1 : i32
      %select_n3A_35 = arith.select %eq3A_33, %jit3A_34, %jit3A_31 : i32
      %rem3A_36 = arith.remsi %arg1, %select_n3A_35 : i32
      %ne3A_37 = arith.constant 0 : i32
      %ne3A_38 = arith.cmpi ne, %rem3A_36, %ne3A_37 : i32
      %lt3A = arith.constant 0 : i32
      %lt3A_39 = arith.cmpi slt, %rem3A_36, %lt3A : i32
      %lt3A_40 = arith.constant 0 : i32
      %lt3A_41 = arith.cmpi slt, %select_n3A_35, %lt3A_40 : i32
      %ne3A_42 = arith.xori %lt3A_39, %lt3A_41 : i1
      %and3A_43 = arith.andi %ne3A_42, %ne3A_38 : i1
      %add3A = arith.addi %rem3A_36, %select_n3A_35 : i32
      %select_n3A_44 = arith.select %and3A_43, %add3A, %rem3A_36 : i32
      %eq3A_45 = arith.constant 0 : i32
      %eq3A_46 = arith.cmpi eq, %select_n3A_44, %eq3A_45 : i32
      %convert_element_type3A_47 = arith.extui %eq3A_46 : i1 to i32
      %cond3A_48 = arith.constant 0 : i32
      %cond3A_49 = arith.cmpi ne, %convert_element_type3A_47, %cond3A_48 : i32
      scf.if %cond3A_49 {
        %broadcast_in_dim3A_210 = arith.constant 0.000000e+00 : f32
        %broadcast_in_dim3A_211 = vector.broadcast %broadcast_in_dim3A_210 : f32 to vector<1x16xf32>
        %swap3A_212 = arith.constant 0 : index
        %swap3A_213 = arith.constant 0 : index
        %swap3A_214 = vector.load %arg15[%swap3A_212, %swap3A_213] : memref<1x16xf32, #tpu.memory_space<vmem>>, vector<1x16xf32>
        tpu.vector_store %arg15[%swap3A_212, %swap3A_213], %broadcast_in_dim3A_211 {strides = array<i32>} : memref<1x16xf32, #tpu.memory_space<vmem>>, vector<1x16xf32>,
        %broadcast_in_dim3A_215 = arith.constant 0.000000e+00 : f32
        %broadcast_in_dim3A_216 = vector.broadcast %broadcast_in_dim3A_215 : f32 to vector<1x16xf32>
        %swap3A_217 = arith.constant 0 : index
        %swap3A_218 = arith.constant 0 : index
        %swap3A_219 = vector.load %arg16[%swap3A_217, %swap3A_218] : memref<1x16xf32, #tpu.memory_space<vmem>>, vector<1x16xf32>
        tpu.vector_store %arg16[%swap3A_217, %swap3A_218], %broadcast_in_dim3A_216 {strides = array<i32>} : memref<1x16xf32, #tpu.memory_space<vmem>>, vector<1x16xf32>,
      } else {
      }
      %mul3A = arith.constant 256 : i32
      %mul3A_50 = arith.muli %arg1, %mul3A : i32
      %get3A = arith.index_cast %mul3A_50 : i32 to index
      %get3A_51 = arith.constant 0 : index
      %get3A_52 = vector.load %arg11[%get3A, %get3A_51] : memref<2048x1xi32, #tpu.memory_space<vmem>>, vector<256x1xi32>
      %eq3A_53 = vector.broadcast %get3A_52 : vector<256x1xi32> to vector<256x16xi32>
      %eq3A_54 = arith.cmpi eq, %iota3A, %eq3A_53 : vector<256x16xi32>
      %convert_element_type3A_55 = arith.extui %eq3A_54 : vector<256x16xi1> to vector<256x16xi32>
      %convert_element_type3A_56 = arith.sitofp %convert_element_type3A_55 : vector<256x16xi32> to vector<256x16xf32>
      %mul3A_57 = arith.constant 256 : i32
      %mul3A_58 = arith.muli %arg1, %mul3A_57 : i32
      %get3A_59 = arith.index_cast %mul3A_58 : i32 to index
      %get3A_60 = arith.constant 0 : index
      %get3A_61 = vector.load %arg12[%get3A_59, %get3A_60] : memref<2048x1xi32, #tpu.memory_space<vmem>>, vector<256x1xi32>
      %eq3A_62 = vector.broadcast %get3A_61 : vector<256x1xi32> to vector<256x16xi32>
      %eq3A_63 = arith.cmpi eq, %iota3A, %eq3A_62 : vector<256x16xi32>
      %convert_element_type3A_64 = arith.extui %eq3A_63 : vector<256x16xi1> to vector<256x16xi32>
      %convert_element_type3A_65 = arith.sitofp %convert_element_type3A_64 : vector<256x16xi32> to vector<256x16xf32>
      %get3A_66 = arith.constant 0 : index
      %get3A_67 = arith.constant 0 : index
      %get3A_68 = arith.constant 0 : index
      %get3A_69 = vector.load %arg13[%get3A_66, %get3A_67, %get3A_68] : memref<2x1x16xf32, #tpu.memory_space<vmem>>, vector<1x1x16xf32>
      %get3A_70 = vector.shape_cast %get3A_69 : vector<1x1x16xf32> to vector<1x16xf32>
      %get3A_71 = arith.constant 1 : index
      %get3A_72 = arith.constant 0 : index
      %get3A_73 = arith.constant 0 : index
      %get3A_74 = vector.load %arg13[%get3A_71, %get3A_72, %get3A_73] : memref<2x1x16xf32, #tpu.memory_space<vmem>>, vector<1x1x16xf32>
      %get3A_75 = vector.shape_cast %get3A_74 : vector<1x1x16xf32> to vector<1x16xf32>
      %add3A_76 = arith.constant 1.500000e+01 : f32
      %add3A_77 = vector.broadcast %add3A_76 : f32 to vector<1x16xf32>
      %add3A_78 = arith.addf %get3A_70, %add3A_77 : vector<1x16xf32>
      %div3A_79 = arith.constant 1.600000e+01 : f32
      %div3A_80 = vector.broadcast %div3A_79 : f32 to vector<1x16xf32>
      %div3A_81 = arith.divf %add3A_78, %div3A_80 : vector<1x16xf32>
      %floor3A = math.floor %div3A_81 : vector<1x16xf32>
      %mul3A_82 = arith.constant 1.600000e+01 : f32
      %mul3A_83 = vector.broadcast %mul3A_82 : f32 to vector<1x16xf32>
      %mul3A_84 = arith.mulf %floor3A, %mul3A_83 : vector<1x16xf32>
      %add3A_85 = arith.constant 1.500000e+01 : f32
      %add3A_86 = vector.broadcast %add3A_85 : f32 to vector<1x16xf32>
      %add3A_87 = arith.addf %get3A_75, %add3A_86 : vector<1x16xf32>
      %div3A_88 = arith.constant 1.600000e+01 : f32
      %div3A_89 = vector.broadcast %div3A_88 : f32 to vector<1x16xf32>
      %div3A_90 = arith.divf %add3A_87, %div3A_89 : vector<1x16xf32>
      %floor3A_91 = math.floor %div3A_90 : vector<1x16xf32>
      %mul3A_92 = arith.constant 1.600000e+01 : f32
      %mul3A_93 = vector.broadcast %mul3A_92 : f32 to vector<1x16xf32>
      %mul3A_94 = arith.mulf %floor3A_91, %mul3A_93 : vector<1x16xf32>
      %add3A_95 = arith.addf %mul3A_84, %mul3A_94 : vector<1x16xf32>
      %add3A_96 = arith.constant 1.270000e+02 : f32
      %add3A_97 = vector.broadcast %add3A_96 : f32 to vector<1x16xf32>
      %add3A_98 = arith.addf %add3A_95, %add3A_97 : vector<1x16xf32>
      %div3A_99 = arith.constant 1.280000e+02 : f32
      %div3A_100 = vector.broadcast %div3A_99 : f32 to vector<1x16xf32>
      %div3A_101 = arith.divf %add3A_98, %div3A_100 : vector<1x16xf32>
      %floor3A_102 = math.floor %div3A_101 : vector<1x16xf32>
      %mul3A_103 = arith.constant 1.280000e+02 : f32
      %mul3A_104 = vector.broadcast %mul3A_103 : f32 to vector<1x16xf32>
      %mul3A_105 = arith.mulf %floor3A_102, %mul3A_104 : vector<1x16xf32>
      %iota3A_106 = tpu.iota {dimensions = array<i32: 0>} : vector<16x16xi32>
      %iota3A_107 = tpu.iota {dimensions = array<i32: 1>} : vector<16x16xi32>
      %le3A = arith.cmpi sle, %iota3A_106, %iota3A_107 : vector<16x16xi32>
      %convert_element_type3A_108 = arith.extui %le3A : vector<16x16xi1> to vector<16x16xi32>
      %convert_element_type3A_109 = arith.sitofp %convert_element_type3A_108 : vector<16x16xi32> to vector<16x16xf32>
      %dot_general3A = arith.constant dense<0.000000e+00> : vector<1x16xf32>
      %dot_general3A_110 = tpu.matmul %mul3A_105, %convert_element_type3A_109, %dot_general3A {dimension_numbers = #tpu.dot_dimension_numbers<[1], [0], [0], [1], [0, 0, 1, 1], [], []>, transpose_lhs_hint = false} : vector<1x16xf32>, vector<16x16xf32>, vector<1x16xf32> -> vector<1x16xf32>
      %sub3A_111 = arith.subf %dot_general3A_110, %mul3A_105 : vector<1x16xf32>
      %eq3A_112 = arith.constant 0 : i32
      %eq3A_113 = arith.cmpi eq, %select_n3A, %eq3A_112 : i32
      %add3A_114 = arith.addf %sub3A_111, %mul3A_84 : vector<1x16xf32>
      %select_n3A_115 = arith.select %eq3A_113, %sub3A_111, %add3A_114 : vector<1x16xf32>
      %eq3A_116 = arith.constant 0 : i32
      %eq3A_117 = arith.cmpi eq, %select_n3A, %eq3A_116 : i32
      %get3A_118 = arith.constant 0 : index
      %get3A_119 = arith.constant 0 : index
      %get3A_120 = arith.constant 0 : index
      %get3A_121 = vector.load %arg14[%get3A_118, %get3A_119, %get3A_120] : memref<2x1x16xf32, #tpu.memory_space<vmem>>, vector<1x1x16xf32>
      %get3A_122 = vector.shape_cast %get3A_121 : vector<1x1x16xf32> to vector<1x16xf32>
      %get3A_123 = arith.constant 1 : index
      %get3A_124 = arith.constant 0 : index
      %get3A_125 = arith.constant 0 : index
      %get3A_126 = vector.load %arg14[%get3A_123, %get3A_124, %get3A_125] : memref<2x1x16xf32, #tpu.memory_space<vmem>>, vector<1x1x16xf32>
      %get3A_127 = vector.shape_cast %get3A_126 : vector<1x1x16xf32> to vector<1x16xf32>
      %select_n3A_128 = arith.select %eq3A_117, %get3A_122, %get3A_127 : vector<1x16xf32>
      %add3A_129 = arith.addf %select_n3A_115, %select_n3A_128 : vector<1x16xf32>
      %iota3A_130 = tpu.iota {dimensions = array<i32: 0>} : vector<256x256xi32>
      %iota3A_131 = tpu.iota {dimensions = array<i32: 1>} : vector<256x256xi32>
      %gt3A = arith.cmpi sgt, %iota3A_130, %iota3A_131 : vector<256x256xi32>
      %convert_element_type3A_132 = arith.extui %gt3A : vector<256x256xi1> to vector<256x256xi32>
      %convert_element_type3A_133 = arith.sitofp %convert_element_type3A_132 : vector<256x256xi32> to vector<256x256xf32>
      %dot_general3A_134 = arith.constant dense<0.000000e+00> : vector<256x16xf32>
      %dot_general3A_135 = tpu.matmul %convert_element_type3A_133, %convert_element_type3A_56, %dot_general3A_134 {dimension_numbers = #tpu.dot_dimension_numbers<[1], [0], [0], [1], [0, 0, 1, 1], [], []>, transpose_lhs_hint = false} : vector<256x256xf32>, vector<256x16xf32>, vector<256x16xf32> -> vector<256x16xf32>
      %get3A_136 = arith.constant 0 : index
      %get3A_137 = arith.constant 0 : index
      %get3A_138 = vector.load %arg15[%get3A_136, %get3A_137] : memref<1x16xf32, #tpu.memory_space<vmem>>, vector<1x16xf32>
      %add3A_139 = vector.broadcast %get3A_138 : vector<1x16xf32> to vector<256x16xf32>
      %add3A_140 = arith.addf %dot_general3A_135, %add3A_139 : vector<256x16xf32>
      %dot_general3A_141 = arith.constant dense<0.000000e+00> : vector<256x16xf32>
      %dot_general3A_142 = tpu.matmul %convert_element_type3A_133, %convert_element_type3A_65, %dot_general3A_141 {dimension_numbers = #tpu.dot_dimension_numbers<[1], [0], [0], [1], [0, 0, 1, 1], [], []>, transpose_lhs_hint = false} : vector<256x256xf32>, vector<256x16xf32>, vector<256x16xf32> -> vector<256x16xf32>
      %get3A_143 = arith.constant 0 : index
      %get3A_144 = arith.constant 0 : index
      %get3A_145 = vector.load %arg16[%get3A_143, %get3A_144] : memref<1x16xf32, #tpu.memory_space<vmem>>, vector<1x16xf32>
      %add3A_146 = vector.broadcast %get3A_145 : vector<1x16xf32> to vector<256x16xf32>
      %add3A_147 = arith.addf %dot_general3A_142, %add3A_146 : vector<256x16xf32>
      %add3A_148 = vector.broadcast %select_n3A_115 : vector<1x16xf32> to vector<256x16xf32>
      %add3A_149 = arith.addf %add3A_148, %add3A_140 : vector<256x16xf32>
      %mul3A_150 = arith.mulf %add3A_149, %convert_element_type3A_56 : vector<256x16xf32>
      %reduce_sum3A = arith.constant dense<0.000000e+00> : vector<256xf32>
      %reduce_sum3A_151 = vector.multi_reduction <add>, %mul3A_150, %reduce_sum3A [1] : vector<256x16xf32> to vector<256xf32>
      %broadcast_in_dim3A = vector.shape_cast %reduce_sum3A_151 : vector<256xf32> to vector<256x1xf32>
      %add3A_152 = vector.broadcast %add3A_129 : vector<1x16xf32> to vector<256x16xf32>
      %add3A_153 = arith.addf %add3A_152, %add3A_147 : vector<256x16xf32>
      %mul3A_154 = arith.mulf %add3A_153, %convert_element_type3A_65 : vector<256x16xf32>
      %reduce_sum3A_155 = arith.constant dense<0.000000e+00> : vector<256xf32>
      %reduce_sum3A_156 = vector.multi_reduction <add>, %mul3A_154, %reduce_sum3A_155 [1] : vector<256x16xf32> to vector<256xf32>
      %broadcast_in_dim3A_157 = vector.shape_cast %reduce_sum3A_156 : vector<256xf32> to vector<256x1xf32>
      %convert_element_type3A_158 = arith.fptosi %broadcast_in_dim3A : vector<256x1xf32> to vector<256x1xi32>
      %swap3A = arith.constant 0 : index
      %swap3A_159 = arith.constant 0 : index
      %swap3A_160 = vector.load %arg6[%swap3A, %swap3A_159] : memref<256x1xi32, #tpu.memory_space<vmem>>, vector<256x1xi32>
      tpu.vector_store %arg6[%swap3A, %swap3A_159], %convert_element_type3A_158 {strides = array<i32>} : memref<256x1xi32, #tpu.memory_space<vmem>>, vector<256x1xi32>,
      %convert_element_type3A_161 = arith.fptosi %broadcast_in_dim3A_157 : vector<256x1xf32> to vector<256x1xi32>
      %swap3A_162 = arith.constant 0 : index
      %swap3A_163 = arith.constant 0 : index
      %swap3A_164 = vector.load %arg7[%swap3A_162, %swap3A_163] : memref<256x1xi32, #tpu.memory_space<vmem>>, vector<256x1xi32>
      tpu.vector_store %arg7[%swap3A_162, %swap3A_163], %convert_element_type3A_161 {strides = array<i32>} : memref<256x1xi32, #tpu.memory_space<vmem>>, vector<256x1xi32>,
      %get3A_165 = arith.constant 0 : index
      %get3A_166 = arith.constant 0 : index
      %get3A_167 = vector.load %arg15[%get3A_165, %get3A_166] : memref<1x16xf32, #tpu.memory_space<vmem>>, vector<1x16xf32>
      %reduce_sum3A_168 = arith.constant dense<0.000000e+00> : vector<16xf32>
      %reduce_sum3A_169 = vector.multi_reduction <add>, %convert_element_type3A_56, %reduce_sum3A_168 [0] : vector<256x16xf32> to vector<16xf32>
      %broadcast_in_dim3A_170 = vector.shape_cast %reduce_sum3A_169 : vector<16xf32> to vector<1x16xf32>
      %add3A_171 = arith.addf %get3A_167, %broadcast_in_dim3A_170 : vector<1x16xf32>
      %swap3A_172 = arith.constant 0 : index
      %swap3A_173 = arith.constant 0 : index
      %swap3A_174 = vector.load %arg15[%swap3A_172, %swap3A_173] : memref<1x16xf32, #tpu.memory_space<vmem>>, vector<1x16xf32>
      tpu.vector_store %arg15[%swap3A_172, %swap3A_173], %add3A_171 {strides = array<i32>} : memref<1x16xf32, #tpu.memory_space<vmem>>, vector<1x16xf32>,
      %get3A_175 = arith.constant 0 : index
      %get3A_176 = arith.constant 0 : index
      %get3A_177 = vector.load %arg16[%get3A_175, %get3A_176] : memref<1x16xf32, #tpu.memory_space<vmem>>, vector<1x16xf32>
      %reduce_sum3A_178 = arith.constant dense<0.000000e+00> : vector<16xf32>
      %reduce_sum3A_179 = vector.multi_reduction <add>, %convert_element_type3A_65, %reduce_sum3A_178 [0] : vector<256x16xf32> to vector<16xf32>
      %broadcast_in_dim3A_180 = vector.shape_cast %reduce_sum3A_179 : vector<16xf32> to vector<1x16xf32>
      %add3A_181 = arith.addf %get3A_177, %broadcast_in_dim3A_180 : vector<1x16xf32>
      %swap3A_182 = arith.constant 0 : index
      %swap3A_183 = arith.constant 0 : index
      %swap3A_184 = vector.load %arg16[%swap3A_182, %swap3A_183] : memref<1x16xf32, #tpu.memory_space<vmem>>, vector<1x16xf32>
      tpu.vector_store %arg16[%swap3A_182, %swap3A_183], %add3A_181 {strides = array<i32>} : memref<1x16xf32, #tpu.memory_space<vmem>>, vector<1x16xf32>,
      %reduce_max3A = vector.shape_cast %dot_general3A_110 : vector<1x16xf32> to vector<1x1x16xf32>
      %reduce_max3A_185 = arith.constant dense<0xFF800000> : vector<1xf32>
      %reduce_max3A_186 = vector.multi_reduction <maximumf>, %reduce_max3A, %reduce_max3A_185 [1, 2] : vector<1x1x16xf32> to vector<1xf32>
      %reduce_max3A_187 = vector.shape_cast %reduce_max3A_186 : vector<1xf32> to vector<1x1x1xf32>
      %reduce_max3A_188 = vector.extract %reduce_max3A_187[0, 0, 0] : f32 from vector<1x1x1xf32>
      %iota3A_189 = tpu.iota {dimensions = array<i32: 0>} : vector<64x16xi32>
      %convert_element_type3A_190 = arith.sitofp %iota3A_189 : vector<64x16xi32> to vector<64x16xf32>
      %mul3A_191 = arith.constant 1.280000e+02 : f32
      %mul3A_192 = vector.broadcast %mul3A_191 : f32 to vector<64x16xf32>
      %mul3A_193 = arith.mulf %convert_element_type3A_190, %mul3A_192 : vector<64x16xf32>
      %ge3A = vector.broadcast %dot_general3A_110 : vector<1x16xf32> to vector<64x16xf32>
      %ge3A_194 = arith.cmpf oge, %mul3A_193, %ge3A : vector<64x16xf32>
      %convert_element_type3A_195 = arith.extui %ge3A_194 : vector<64x16xi1> to vector<64x16xi32>
      %convert_element_type3A_196 = arith.sitofp %convert_element_type3A_195 : vector<64x16xi32> to vector<64x16xf32>
      %reduce_sum3A_197 = arith.constant dense<0.000000e+00> : vector<64xf32>
      %reduce_sum3A_198 = vector.multi_reduction <add>, %convert_element_type3A_196, %reduce_sum3A_197 [1] : vector<64x16xf32> to vector<64xf32>
      %broadcast_in_dim3A_199 = vector.shape_cast %reduce_sum3A_198 : vector<64xf32> to vector<64x1xf32>
      %min3A = arith.constant 1.500000e+01 : f32
      %min3A_200 = vector.broadcast %min3A : f32 to vector<64x1xf32>
      %min3A_201 = arith.minimumf %broadcast_in_dim3A_199, %min3A_200 : vector<64x1xf32>
      %slice3A = vector.extract_strided_slice %mul3A_193 {offsets = [0, 0], sizes = [64, 1], strides = [1, 1]} : vector<64x16xf32> to vector<64x1xf32>
      %lt3A_202 = vector.broadcast %reduce_max3A_188 : f32 to vector<64x1xf32>
      %lt3A_203 = arith.cmpf olt, %slice3A, %lt3A_202 : vector<64x1xf32>
      %convert_element_type3A_204 = arith.extui %lt3A_203 : vector<64x1xi1> to vector<64x1xi32>
      %convert_element_type3A_205 = arith.sitofp %convert_element_type3A_204 : vector<64x1xi32> to vector<64x1xf32>
      %concatenate3A = tpu.concatenate %min3A_201, %convert_element_type3A_205 in 1 : vector<64x1xf32>, vector<64x1xf32> -> vector<64x2xf32>
      %convert_element_type3A_206 = arith.fptosi %concatenate3A : vector<64x2xf32> to vector<64x2xi32>
      %swap3A_207 = arith.constant 0 : index
      %swap3A_208 = arith.constant 0 : index
      %swap3A_209 = vector.load %arg8[%swap3A_207, %swap3A_208] : memref<64x2xi32, #tpu.memory_space<vmem>>, vector<64x2xi32>
      tpu.vector_store %arg8[%swap3A_207, %swap3A_208], %convert_element_type3A_206 {strides = array<i32>} : memref<64x2xi32, #tpu.memory_space<vmem>>, vector<64x2xi32>,
    } else {
    }
    return
  }
  func.func @transform_0(%arg0: i32, %arg1: i32) -> (i32, i32) {
    %eq3A = arith.constant 0 : i32
    %eq3A_0 = arith.cmpi eq, %arg0, %eq3A : i32
    %jit3A = arith.constant 0 : i32
    %select_n3A = arith.select %eq3A_0, %arg1, %jit3A : i32
    %c0_i32 = arith.constant 0 : i32
    %c0_i32_1 = arith.constant 0 : i32
    return %select_n3A, %c0_i32 : i32, i32
  }
  func.func @transform_1(%arg0: i32, %arg1: i32) -> (i32, i32) {
    %c0_i32 = arith.constant 0 : i32
    %c0_i32_0 = arith.constant 0 : i32
    %c0_i32_1 = arith.constant 0 : i32
    return %c0_i32, %c0_i32_0 : i32, i32
  }
  func.func @transform_2(%arg0: i32, %arg1: i32) -> (i32, i32) {
    %eq3A = arith.constant 0 : i32
    %eq3A_0 = arith.cmpi eq, %arg0, %eq3A : i32
    %jit3A = arith.constant 8 : i32
    %select_n3A = arith.select %eq3A_0, %arg1, %jit3A : i32
    %c0_i32 = arith.constant 0 : i32
    %c0_i32_1 = arith.constant 0 : i32
    return %select_n3A, %c0_i32 : i32, i32
  }
  func.func @transform_3(%arg0: i32, %arg1: i32) -> (i32, i32) {
    %eq3A = arith.constant 0 : i32
    %eq3A_0 = arith.cmpi eq, %arg0, %eq3A : i32
    %jit3A = arith.constant 8 : i32
    %select_n3A = arith.select %eq3A_0, %arg1, %jit3A : i32
    %c0_i32 = arith.constant 0 : i32
    %c0_i32_1 = arith.constant 0 : i32
    return %select_n3A, %c0_i32 : i32, i32
  }
  func.func @transform_4(%arg0: i32, %arg1: i32) -> (i32, i32) {
    %eq3A = arith.constant 1 : i32
    %eq3A_0 = arith.cmpi eq, %arg0, %eq3A : i32
    %jit3A = arith.constant 8 : i32
    %select_n3A = arith.select %eq3A_0, %arg1, %jit3A : i32
    %c0_i32 = arith.constant 0 : i32
    %c0_i32_1 = arith.constant 0 : i32
    return %select_n3A, %c0_i32 : i32, i32
  }
  func.func @transform_5(%arg0: i32, %arg1: i32) -> (i32, i32) {
    %eq3A = arith.constant 1 : i32
    %eq3A_0 = arith.cmpi eq, %arg0, %eq3A : i32
    %jit3A = arith.constant 8 : i32
    %select_n3A = arith.select %eq3A_0, %arg1, %jit3A : i32
    %c0_i32 = arith.constant 0 : i32
    %c0_i32_1 = arith.constant 0 : i32
    return %select_n3A, %c0_i32 : i32, i32
  }
  func.func @transform_6(%arg0: i32, %arg1: i32) -> (i32, i32) {
    %c0_i32 = arith.constant 0 : i32
    %c0_i32_0 = arith.constant 0 : i32
    %c0_i32_1 = arith.constant 0 : i32
    return %c0_i32, %c0_i32_0 : i32, i32
  }
  func.func @transform_7(%arg0: i32, %arg1: i32) -> (i32, i32) {
    %c0_i32 = arith.constant 0 : i32
    %c0_i32_0 = arith.constant 0 : i32
    %c0_i32_1 = arith.constant 0 : i32
    return %c0_i32, %c0_i32_0 : i32, i32
  }
  func.func @transform_8(%arg0: i32, %arg1: i32) -> (i32, i32) {
    %c0_i32 = arith.constant 0 : i32
    %c0_i32_0 = arith.constant 0 : i32
    %c0_i32_1 = arith.constant 0 : i32
    return %c0_i32, %c0_i32_0 : i32, i32
  }
}

module attributes {stable_mosaic.version = 14 : i64} {
  func.func @_expert_body(%arg0: i32, %arg1: memref<64x2xi32, #tpu.memory_space<smem>>, %arg2: memref<128x768xf32, #tpu.memory_space<vmem>>, %arg3: memref<1x768x256xf32, #tpu.memory_space<vmem>>, %arg4: memref<1x1x256xf32, #tpu.memory_space<vmem>>, %arg5: memref<1x256x768xf32, #tpu.memory_space<vmem>>, %arg6: memref<1x1x768xf32, #tpu.memory_space<vmem>>, %arg7: memref<128x768xf32, #tpu.memory_space<vmem>>) attributes {dimension_semantics = [#tpu.dimension_semantics<arbitrary>], iteration_bounds = array<i64: 52>, scalar_prefetch = 1 : i64, scratch_operands = 0 : i64, tpu.core_type = #tpu.core_type<tc>, window_params = [{transform_indices = @transform_0, window_bounds = array<i64: 128, 768>}, {transform_indices = @transform_1, window_bounds = array<i64: 1, 768, 256>}, {transform_indices = @transform_2, window_bounds = array<i64: 1, 1, 256>}, {transform_indices = @transform_3, window_bounds = array<i64: 1, 256, 768>}, {transform_indices = @transform_4, window_bounds = array<i64: 1, 1, 768>}, {transform_indices = @transform_5, window_bounds = array<i64: 128, 768>}]} {
    %get3A = arith.index_cast %arg0 : i32 to index
    %get3A_0 = arith.constant 1 : index
    %get3A_1 = memref.load %arg1[%get3A, %get3A_0] : memref<64x2xi32, #tpu.memory_space<smem>>
    %gt3A = arith.constant 0 : i32
    %gt3A_2 = arith.cmpi sgt, %get3A_1, %gt3A : i32
    %convert_element_type3A = arith.extui %gt3A_2 : i1 to i32
    %cond3A = arith.constant 0 : i32
    %cond3A_3 = arith.cmpi ne, %convert_element_type3A, %cond3A : i32
    scf.if %cond3A_3 {
      %get3A_4 = arith.constant 0 : index
      %get3A_5 = arith.constant 0 : index
      %get3A_6 = vector.load %arg2[%get3A_4, %get3A_5] : memref<128x768xf32, #tpu.memory_space<vmem>>, vector<128x768xf32>
      %get3A_7 = arith.constant 0 : index
      %get3A_8 = arith.constant 0 : index
      %get3A_9 = arith.constant 0 : index
      %get3A_10 = vector.load %arg3[%get3A_7, %get3A_8, %get3A_9] : memref<1x768x256xf32, #tpu.memory_space<vmem>>, vector<1x768x256xf32>
      %get3A_11 = vector.shape_cast %get3A_10 : vector<1x768x256xf32> to vector<768x256xf32>
      %dot_general3A = arith.constant dense<0.000000e+00> : vector<128x256xf32>
      %dot_general3A_12 = tpu.matmul %get3A_6, %get3A_11, %dot_general3A {dimension_numbers = #tpu.dot_dimension_numbers<[1], [0], [0], [1], [0, 0, 1, 1], [], []>, transpose_lhs_hint = false} : vector<128x768xf32>, vector<768x256xf32>, vector<128x256xf32> -> vector<128x256xf32>
      %get3A_13 = arith.constant 0 : index
      %get3A_14 = arith.constant 0 : index
      %get3A_15 = arith.constant 0 : index
      %get3A_16 = vector.load %arg4[%get3A_13, %get3A_14, %get3A_15] : memref<1x1x256xf32, #tpu.memory_space<vmem>>, vector<1x1x256xf32>
      %get3A_17 = vector.shape_cast %get3A_16 : vector<1x1x256xf32> to vector<1x256xf32>
      %add3A = vector.broadcast %get3A_17 : vector<1x256xf32> to vector<128x256xf32>
      %add3A_18 = arith.addf %dot_general3A_12, %add3A : vector<128x256xf32>
      %max3A = arith.constant 0.000000e+00 : f32
      %max3A_19 = vector.broadcast %max3A : f32 to vector<128x256xf32>
      %max3A_20 = arith.maximumf %add3A_18, %max3A_19 : vector<128x256xf32>
      %get3A_21 = arith.constant 0 : index
      %get3A_22 = arith.constant 0 : index
      %get3A_23 = arith.constant 0 : index
      %get3A_24 = vector.load %arg5[%get3A_21, %get3A_22, %get3A_23] : memref<1x256x768xf32, #tpu.memory_space<vmem>>, vector<1x256x768xf32>
      %get3A_25 = vector.shape_cast %get3A_24 : vector<1x256x768xf32> to vector<256x768xf32>
      %dot_general3A_26 = arith.constant dense<0.000000e+00> : vector<128x768xf32>
      %dot_general3A_27 = tpu.matmul %max3A_20, %get3A_25, %dot_general3A_26 {dimension_numbers = #tpu.dot_dimension_numbers<[1], [0], [0], [1], [0, 0, 1, 1], [], []>, transpose_lhs_hint = false} : vector<128x256xf32>, vector<256x768xf32>, vector<128x768xf32> -> vector<128x768xf32>
      %get3A_28 = arith.constant 0 : index
      %get3A_29 = arith.constant 0 : index
      %get3A_30 = arith.constant 0 : index
      %get3A_31 = vector.load %arg6[%get3A_28, %get3A_29, %get3A_30] : memref<1x1x768xf32, #tpu.memory_space<vmem>>, vector<1x1x768xf32>
      %get3A_32 = vector.shape_cast %get3A_31 : vector<1x1x768xf32> to vector<1x768xf32>
      %add3A_33 = vector.broadcast %get3A_32 : vector<1x768xf32> to vector<128x768xf32>
      %add3A_34 = arith.addf %dot_general3A_27, %add3A_33 : vector<128x768xf32>
      %reduce_max3A = arith.constant dense<0xFF800000> : vector<128xf32>
      %reduce_max3A_35 = vector.multi_reduction <maximumf>, %add3A_34, %reduce_max3A [1] : vector<128x768xf32> to vector<128xf32>
      %broadcast_in_dim3A = vector.shape_cast %reduce_max3A_35 : vector<128xf32> to vector<128x1xf32>
      %sub3A = vector.broadcast %broadcast_in_dim3A : vector<128x1xf32> to vector<128x768xf32>
      %sub3A_36 = arith.subf %add3A_34, %sub3A : vector<128x768xf32>
      %exp3A = math.exp %sub3A_36 : vector<128x768xf32>
      %reduce_sum3A = arith.constant dense<0.000000e+00> : vector<128xf32>
      %reduce_sum3A_37 = vector.multi_reduction <add>, %exp3A, %reduce_sum3A [1] : vector<128x768xf32> to vector<128xf32>
      %broadcast_in_dim3A_38 = vector.shape_cast %reduce_sum3A_37 : vector<128xf32> to vector<128x1xf32>
      %div3A = vector.broadcast %broadcast_in_dim3A_38 : vector<128x1xf32> to vector<128x768xf32>
      %div3A_39 = arith.divf %exp3A, %div3A : vector<128x768xf32>
      %swap3A = arith.constant 0 : index
      %swap3A_40 = arith.constant 0 : index
      %swap3A_41 = vector.load %arg7[%swap3A, %swap3A_40] : memref<128x768xf32, #tpu.memory_space<vmem>>, vector<128x768xf32>
      tpu.vector_store %arg7[%swap3A, %swap3A_40], %div3A_39 {strides = array<i32>} : memref<128x768xf32, #tpu.memory_space<vmem>>, vector<128x768xf32>,
    } else {
    }
    return
  }
  func.func @transform_0(%arg0: i32, %arg1: memref<64x2xi32, #tpu.memory_space<smem>>) -> (i32, i32) {
    %get3A = arith.index_cast %arg0 : i32 to index
    %get3A_0 = arith.constant 1 : index
    %get3A_1 = memref.load %arg1[%get3A, %get3A_0] : memref<64x2xi32, #tpu.memory_space<smem>>
    %gt3A = arith.constant 0 : i32
    %gt3A_2 = arith.cmpi sgt, %get3A_1, %gt3A : i32
    %jit3A = arith.constant 0 : i32
    %select_n3A = arith.select %gt3A_2, %arg0, %jit3A : i32
    %c0_i32 = arith.constant 0 : i32
    %c0_i32_3 = arith.constant 0 : i32
    return %select_n3A, %c0_i32 : i32, i32
  }
  func.func @transform_1(%arg0: i32, %arg1: memref<64x2xi32, #tpu.memory_space<smem>>) -> (i32, i32, i32) {
    %get3A = arith.index_cast %arg0 : i32 to index
    %get3A_0 = arith.constant 0 : index
    %get3A_1 = memref.load %arg1[%get3A, %get3A_0] : memref<64x2xi32, #tpu.memory_space<smem>>
    %c0_i32 = arith.constant 0 : i32
    %c0_i32_2 = arith.constant 0 : i32
    %c0_i32_3 = arith.constant 0 : i32
    return %get3A_1, %c0_i32, %c0_i32_2 : i32, i32, i32
  }
  func.func @transform_2(%arg0: i32, %arg1: memref<64x2xi32, #tpu.memory_space<smem>>) -> (i32, i32, i32) {
    %get3A = arith.index_cast %arg0 : i32 to index
    %get3A_0 = arith.constant 0 : index
    %get3A_1 = memref.load %arg1[%get3A, %get3A_0] : memref<64x2xi32, #tpu.memory_space<smem>>
    %c0_i32 = arith.constant 0 : i32
    %c0_i32_2 = arith.constant 0 : i32
    %c0_i32_3 = arith.constant 0 : i32
    return %get3A_1, %c0_i32, %c0_i32_2 : i32, i32, i32
  }
  func.func @transform_3(%arg0: i32, %arg1: memref<64x2xi32, #tpu.memory_space<smem>>) -> (i32, i32, i32) {
    %get3A = arith.index_cast %arg0 : i32 to index
    %get3A_0 = arith.constant 0 : index
    %get3A_1 = memref.load %arg1[%get3A, %get3A_0] : memref<64x2xi32, #tpu.memory_space<smem>>
    %c0_i32 = arith.constant 0 : i32
    %c0_i32_2 = arith.constant 0 : i32
    %c0_i32_3 = arith.constant 0 : i32
    return %get3A_1, %c0_i32, %c0_i32_2 : i32, i32, i32
  }
  func.func @transform_4(%arg0: i32, %arg1: memref<64x2xi32, #tpu.memory_space<smem>>) -> (i32, i32, i32) {
    %get3A = arith.index_cast %arg0 : i32 to index
    %get3A_0 = arith.constant 0 : index
    %get3A_1 = memref.load %arg1[%get3A, %get3A_0] : memref<64x2xi32, #tpu.memory_space<smem>>
    %c0_i32 = arith.constant 0 : i32
    %c0_i32_2 = arith.constant 0 : i32
    %c0_i32_3 = arith.constant 0 : i32
    return %get3A_1, %c0_i32, %c0_i32_2 : i32, i32, i32
  }
  func.func @transform_5(%arg0: i32, %arg1: memref<64x2xi32, #tpu.memory_space<smem>>) -> (i32, i32) {
    %get3A = arith.index_cast %arg0 : i32 to index
    %get3A_0 = arith.constant 1 : index
    %get3A_1 = memref.load %arg1[%get3A, %get3A_0] : memref<64x2xi32, #tpu.memory_space<smem>>
    %gt3A = arith.constant 0 : i32
    %gt3A_2 = arith.cmpi sgt, %get3A_1, %gt3A : i32
    %jit3A = arith.constant 52 : i32
    %select_n3A = arith.select %gt3A_2, %arg0, %jit3A : i32
    %c0_i32 = arith.constant 0 : i32
    %c0_i32_3 = arith.constant 0 : i32
    return %select_n3A, %c0_i32 : i32, i32
  }
}

module attributes {stable_mosaic.version = 14 : i64} {
  func.func @_combine_body(%arg0: i32, %arg1: memref<512x768xf32, #tpu.memory_space<vmem>>, %arg2: memref<512x768xf32, #tpu.memory_space<vmem>>, %arg3: memref<512x1xf32, #tpu.memory_space<vmem>>, %arg4: memref<512x1xf32, #tpu.memory_space<vmem>>, %arg5: memref<512x768xf32, #tpu.memory_space<vmem>>) attributes {dimension_semantics = [#tpu.dimension_semantics<arbitrary>], iteration_bounds = array<i64: 4>, scalar_prefetch = 0 : i64, scratch_operands = 0 : i64, tpu.core_type = #tpu.core_type<tc>, window_params = [{transform_indices = @transform_0, window_bounds = array<i64: 512, 768>}, {transform_indices = @transform_1, window_bounds = array<i64: 512, 768>}, {transform_indices = @transform_2, window_bounds = array<i64: 512, 1>}, {transform_indices = @transform_3, window_bounds = array<i64: 512, 1>}, {transform_indices = @transform_4, window_bounds = array<i64: 512, 768>}]} {
    %get3A = arith.constant 0 : index
    %get3A_0 = arith.constant 0 : index
    %get3A_1 = vector.load %arg3[%get3A, %get3A_0] : memref<512x1xf32, #tpu.memory_space<vmem>>, vector<512x1xf32>
    %get3A_2 = arith.constant 0 : index
    %get3A_3 = arith.constant 0 : index
    %get3A_4 = vector.load %arg1[%get3A_2, %get3A_3] : memref<512x768xf32, #tpu.memory_space<vmem>>, vector<512x768xf32>
    %mul3A = vector.broadcast %get3A_1 : vector<512x1xf32> to vector<512x768xf32>
    %mul3A_5 = arith.mulf %mul3A, %get3A_4 : vector<512x768xf32>
    %get3A_6 = arith.constant 0 : index
    %get3A_7 = arith.constant 0 : index
    %get3A_8 = vector.load %arg4[%get3A_6, %get3A_7] : memref<512x1xf32, #tpu.memory_space<vmem>>, vector<512x1xf32>
    %get3A_9 = arith.constant 0 : index
    %get3A_10 = arith.constant 0 : index
    %get3A_11 = vector.load %arg2[%get3A_9, %get3A_10] : memref<512x768xf32, #tpu.memory_space<vmem>>, vector<512x768xf32>
    %mul3A_12 = vector.broadcast %get3A_8 : vector<512x1xf32> to vector<512x768xf32>
    %mul3A_13 = arith.mulf %mul3A_12, %get3A_11 : vector<512x768xf32>
    %add3A = arith.addf %mul3A_5, %mul3A_13 : vector<512x768xf32>
    %eq3A = arith.constant 0.000000e+00 : f32
    %eq3A_14 = vector.broadcast %eq3A : f32 to vector<512x768xf32>
    %eq3A_15 = arith.cmpf oeq, %add3A, %eq3A_14 : vector<512x768xf32>
    %jit3A = arith.constant 2.22044605E-16 : f32
    %broadcast_in_dim3A = vector.broadcast %jit3A : f32 to vector<512x768xf32>
    %select_n3A = arith.select %eq3A_15, %broadcast_in_dim3A, %add3A : vector<512x768xi1>, vector<512x768xf32>
    %log3A = math.log %select_n3A : vector<512x768xf32>
    %swap3A = arith.constant 0 : index
    %swap3A_16 = arith.constant 0 : index
    %swap3A_17 = vector.load %arg5[%swap3A, %swap3A_16] : memref<512x768xf32, #tpu.memory_space<vmem>>, vector<512x768xf32>
    tpu.vector_store %arg5[%swap3A, %swap3A_16], %log3A {strides = array<i32>} : memref<512x768xf32, #tpu.memory_space<vmem>>, vector<512x768xf32>,
    return
  }
  func.func @transform_0(%arg0: i32) -> (i32, i32) {
    %c0_i32 = arith.constant 0 : i32
    %c0_i32_0 = arith.constant 0 : i32
    return %arg0, %c0_i32 : i32, i32
  }
  func.func @transform_1(%arg0: i32) -> (i32, i32) {
    %c0_i32 = arith.constant 0 : i32
    %c0_i32_0 = arith.constant 0 : i32
    return %arg0, %c0_i32 : i32, i32
  }
  func.func @transform_2(%arg0: i32) -> (i32, i32) {
    %c0_i32 = arith.constant 0 : i32
    %c0_i32_0 = arith.constant 0 : i32
    return %arg0, %c0_i32 : i32, i32
  }
  func.func @transform_3(%arg0: i32) -> (i32, i32) {
    %c0_i32 = arith.constant 0 : i32
    %c0_i32_0 = arith.constant 0 : i32
    return %arg0, %c0_i32 : i32, i32
  }
  func.func @transform_4(%arg0: i32) -> (i32, i32) {
    %c0_i32 = arith.constant 0 : i32
    %c0_i32_0 = arith.constant 0 : i32
    return %arg0, %c0_i32 : i32, i32
  }
}

</mosaic_0001>

<sc_bundles>
// kernel: kernel.10.cloned.1.call-start
scs
__scs_entry_jumppad:
0x0: {  	(pc) =	sbr.rel $0x88, $3  }
0x1: {  	(tag) =	ssettag $0x0;
	lr =	simm.s32 $0x1  }
0x2: {  	[smem:$0x3F9B] =	sst lr;
	_ =	strace $0xD0000000  }
0x3: {  	_ = 	snop  }
0x4: {  	_ = 	snop  }
0x5: {  	_ = 	snop  }
0x6: {  	_ = 	snop  }
0x7: {  	_ = 	snop  }
__scs_overlays_trampoline_lowered:
0x8: {  	[smem:$0x3FAA] =	sst s0  }
0x9: {  	[smem:$0x3FAB] =	sst s1  }
0xa: {  	[smem:$0x3FAC] =	sst s2  }
0xb: {  	[smem:$0x3FAD] =	sst s3  }
0xc: {  	[smem:$0x3FAE] =	sst s4  }
0xd: {  	[smem:$0x3FAF] =	sst s5  }
0xe: {  	[smem:$0x3FB0] =	sst s6  }
0xf: {  	[smem:$0x3FB1] =	sst s7  }
0x10: {  	[smem:$0x3FB2] =	sst s8  }
0x11: {  	[smem:$0x3FB3] =	sst s9;
	s0 =	simm.s32 @!p0 $0x0  }
0x12: {  	s1 =	sld [smem:$0x3F99];
	s0 =	simm.s32 @p0 $0x1  }
0x13: {  	[smem:$0x3FB4] =	sst s0;
	s0 =	simm.s32 @!p1 $0x0  }
0x14: {  	s2 =	sld [smem:$0x3F98];
	s0 =	simm.s32 @p1 $0x1  }
0x15: {  	[smem:$0x3FB5] =	sst s0;
	s0 =	simm.s32 @!p2 $0x0  }
0x16: {  	s3 =	sld [smem:$0x3FDB];
	s0 =	simm.s32 @p2 $0x1  }
0x17: {  	s4 =	simm.s32 $0x1BF5;
	[smem:$0x3FB7] =	sst s0  }
0x18: {  	s0 =	sld [smem:$0x3F9A];
	_ =	swait.ge [sflag:s4], $0x0  }
0x19: {  	s7 =	sld [smem:$0x3F9B]  }
0x1a: {  	s8 =	sadd.s32 $0xFFFFE003, lr  }
0x1b: {  	s9 =	sadd.s32 $0xFFFFFEF7, lr;
	s5 =	simm.s32 $0xFFFFFFFF;
	p2 =	slt.u32 s8, $0xFFFFF086  }
0x1c: {  	p1 =	slt.u32 s9, $0xF7A;
	s5 =	simm.s32 @!p2 $0x0  }
0x1d: {  	s5 =	simm.s32 @p1 $0x1;
	p0 =	seq.s32 s7, s2  }
0x1e: {  	s7 =	smul.u32 @!p0 $0xF7A, s2;
	p2 =	seq.s32 @!p0 s5, $0x0  }
0x1f: {  	s9 =	smul.u32 $0xF7A, s1;
	s8 =	simm.s32 @!p0 $0x1BF5;
	p2 =	por !p2, p0  }
0x20: {  	[sflag:s8] =	ssyncset.s32 @!p0 $0xFFFFF086;
	s6 =	sadd.s32 @!p0 s3, s7;
	s7 =	simm.s32 @!p0 $0x108  }
0x21: {  	s3 =	sadd.s32 s3, s9;
	s6 =	sadd.s32 @!p0 $0x88, s6;
	s7 =	simm.s32 @p2 $0x1082  }
0x22: {  	[simem:s7], [sflag:s8] =	dma.local @!p0 [hbm:s6], $0xF7A  }
0x23: {  	s9 =	sor.u32 $0xD0000000, s2;
	s6 =	simm.s32 $0x108;
	_ =	swait.ge @!p0 [sflag:s8], $0x0  }
0x24: {  	s3 =	sadd.s32 $0x88, s3;
	s6 =	simm.s32 @!p1 $0x1082;
	[sflag:s4] =	ssyncset.s32 $0xFFFFF086  }
0x25: {  	[simem:s6], [sflag:s4] =	dma.local [hbm:s3], $0xF7A  }
0x26: {  	[smem:$0x3F9B] =	sst s1;
	(tag) =	ssettag s2;
	_ =	strace s9  }
0x27: {  	s1 =	sld [smem:$0x3FAB]  }
0x28: {  	s2 =	sld [smem:$0x3FAC]  }
0x29: {  	s4 =	sld [smem:$0x3FAE]  }
0x2a: {  	p0 =	seq.s32 s5, $0x0;
	s5 =	sld [smem:$0x3FAF]  }
0x2b: {  	s6 =	sld [smem:$0x3FB0]  }
0x2c: {  	s7 =	sld [smem:$0x3FB1]  }
0x2d: {  	s3 =	simm.s32 $0x108;
	s8 =	sld [smem:$0x3FB2]  }
0x2e: {  	s3 =	simm.s32 @!p0 $0x1082;
	s9 =	sld [smem:$0x3FB3]  }
0x2f: {  	lr =	sadd.s32 s0, s3;
	s0 =	sld [smem:$0x3FAA]  }
0x30: {  	s3 =	sld [smem:$0x3FAD]  }
0x31: {  	[smem:$0x3FB6] =	sst s10  }
0x32: {  	s10 =	sld [smem:$0x3FB4];
	_ =	sdelay $0x3  }
0x33: {  	p0 =	seq.s32 s10, $0x1;
	s10 =	sld [smem:$0x3FB6];
	_ =	sdelay $0x3  }
0x34: {  	[smem:$0x3FB6] =	sst s10  }
0x35: {  	s10 =	sld [smem:$0x3FB5];
	_ =	sdelay $0x3  }
0x36: {  	p1 =	seq.s32 s10, $0x1;
	s10 =	sld [smem:$0x3FB6];
	_ =	sdelay $0x3  }
0x37: {  	[smem:$0x3FB6] =	sst s10  }
0x38: {  	s10 =	sld [smem:$0x3FB7]  }
0x39: {  	_ = 	snop;
	(pc) =	sbr.ind lr, $3  }
0x3a: {  	_ = 	snop  }
0x3b: {  	_ = 	snop  }
0x3c: {  	p2 =	seq.s32 s10, $0x1;
	s10 =	sld [smem:$0x3FB6]  }
0x3d: {  	_ =	shalt  }
0x3e: {  	_ =	shalt  }
0x3f: {  	_ =	shalt  }
0x40: {  	_ =	shalt  }
0x41: {  	_ =	shalt  }
0x42: {  	_ =	shalt  }
0x43: {  	_ =	shalt  }
0x44: {  	_ =	shalt  }
0x45: {  	_ =	shalt  }
0x46: {  	_ =	shalt  }
0x47: {  	_ =	shalt  }
0x48: {  	_ =	shalt  }
0x49: {  	_ =	shalt  }
0x4a: {  	_ =	shalt  }
0x4b: {  	_ =	shalt  }
0x4c: {  	_ =	shalt  }
0x4d: {  	_ =	shalt  }
0x4e: {  	_ =	shalt  }
0x4f: {  	_ =	shalt  }
0x50: {  	_ =	shalt  }
0x51: {  	_ =	shalt  }
0x52: {  	_ =	shalt  }
0x53: {  	_ =	shalt  }
0x54: {  	_ =	shalt  }
0x55: {  	_ =	shalt  }
0x56: {  	_ =	shalt  }
0x57: {  	_ =	shalt  }
0x58: {  	_ =	shalt  }
0x59: {  	_ =	shalt  }
0x5a: {  	_ =	shalt  }
0x5b: {  	_ =	shalt  }
0x5c: {  	_ =	shalt  }
0x5d: {  	_ =	shalt  }
0x5e: {  	_ =	shalt  }
0x5f: {  	_ =	shalt  }
0x60: {  	_ =	shalt  }
0x61: {  	_ =	shalt  }
0x62: {  	_ =	shalt  }
0x63: {  	_ =	shalt  }
0x64: {  	_ =	shalt  }
0x65: {  	_ =	shalt  }
0x66: {  	_ =	shalt  }
0x67: {  	_ =	shalt  }
0x68: {  	_ =	shalt  }
0x69: {  	_ =	shalt  }
0x6a: {  	_ =	shalt  }
0x6b: {  	_ =	shalt  }
0x6c: {  	_ =	shalt  }
0x6d: {  	_ =	shalt  }
0x6e: {  	_ =	shalt  }
0x6f: {  	_ =	shalt  }
0x70: {  	_ =	shalt  }
0x71: {  	_ =	shalt  }
0x72: {  	_ =	shalt  }
0x73: {  	_ =	shalt  }
0x74: {  	_ =	shalt  }
0x75: {  	_ =	shalt  }
0x76: {  	_ =	shalt  }
0x77: {  	_ =	shalt  }
0x78: {  	_ =	shalt  }
0x79: {  	_ =	shalt  }
0x7a: {  	_ =	shalt  }
0x7b: {  	_ =	shalt  }
0x7c: {  	_ =	shalt  }
0x7d: {  	_ =	shalt  }
0x7e: {  	_ =	shalt  }
0x7f: {  	_ =	shalt  }
0x80: {  	_ =	shalt  }
0x81: {  	_ =	shalt  }
0x82: {  	_ =	shalt  }
0x83: {  	_ =	shalt  }
0x84: {  	_ =	shalt  }
0x85: {  	_ =	shalt  }
0x86: {  	_ =	shalt  }
0x87: {  	_ =	shalt  }
.Lfunc_end0:
.L_simem_size_0:
called_computation.1_lowered:
.L_overlay_start_0:
0x88: {  	s2 =	sld [smem:$0x3FD9]  }
0x89: {  	s3 =	sld [smem:$0x3FFE];
	_ =	sdelay $0x1  }
0x8a: {  	s1 =	srdreg.scid  }
0x8b: {  	s0 =	sand.u32 $0x1, s1  }
0x8c: {  	s14 =	sshll.u32 s0, $0xA;
	s2 =	sadd.s32 s3, s2  }
0x8d: {  	s2 =	sadd.s32 s2, s14  }
0x8e: {  	[smem:$0x3FC2] =	sst s2  }
0x8f: {  	_ = 	snop  }
0x90: {  	s2 =	sld [smem:$0x3FD0];
	_ =	sdelay $0x2  }
0x91: {  	s15 =	simm.s32 $0xA;
	s4 =	simm.s32 $0x10  }
0x92: {  	[smem:s4], [sflag:s15] =	dma.local [hbm:s2], $0x1  }
0x93: {  	_ =	swait.eq [sflag:s15], $0x1  }
0x94: {  	[sflag:s15] =	ssyncset.done $0x0  }
0x95: {  	[sflag:s15] =	ssyncadd.s32 $0xFFFFFFFF  }
0x96: {  	s16 =	sld [smem:$0x10];
	(tm) =	ssettm $0x1  }
0x97: {  	s17 =	sld [smem:$0x3FFB];
	_ =	sdelay $0x3  }
0x98: {  	_ =	strace s17  }
0x99: {  	s3 =	sld [smem:$0x3FFC];
	_ =	sdelay $0x3  }
0x9a: {  	_ =	strace s3  }
0x9b: {  	s3 =	sld [smem:$0x3FFD];
	_ =	sdelay $0x3  }
0x9c: {  	_ =	strace s3  }
0x9d: {  	_ =	strace $0x8FFFFFFF  }
0x9e: {  	s18 =	sld [smem:$0x3FDB];
	_ =	sdelay $0x1  }
0x9f: {  	s19 =	simm.s32 $_scs_section_size  }
0xa0: {  	s5 =	simm.s32 $_size__tile_overlayer_lowered;
	s6 =	simm.s32 $_tile_overlayer_lowered  }
0xa1: {  	s22 =	simm.s32 $0x1BFF;
	s21 =	sshll.u32 s6, $0x1;
	s3 =	sadd.s32 s19, s18  }
0xa2: {  	s7 =	simm.s32 $0x0;
	s20 =	sshll.u32 s5, $0x1;
	s5 =	sadd.s32 s21, s3  }
0xa3: {  	[timem:s7], [sflag:s22] =	dma.local [hbm:s5], s20  }
0xa4: {  	_ =	swait.ge [sflag:s22], s20  }
0xa5: {  	s4 =	ssub.s32 $0x0, s20;
	[sflag:s22] =	ssyncset.done $0x0  }
0xa6: {  	[sflag:s22] =	ssyncadd.s32 s4;
	_ =	sdelay $0x1  }
0xa7: {  	s23 =	simm.s32 $0x1B8B  }
0xa8: {  	_ =	swait.ge [sflag:s23], $0x1  }
0xa9: {  	[sflag:s23] =	ssyncset.done $0x0  }
0xaa: {  	s25 =	simm.s32 $0x1B8E;
	s24 =	sld [smem:$0x3FFE];
	[sflag:s23] =	ssyncadd.s32 $0xFFFFFFFF  }
0xab: {  	s26 =	simm.s32 $execute0_lowered;
	[smem:$0x3FD2] =	sst s25  }
0xac: {  	s5 =	sshll.u32 s26, $0x1;
	_ =	strace $0x80000049;
	[dreg:$0x1] =	wrdreg $0xFFFFFFFF  }
0xad: {  	s28 =	simm.s32 $_size_execute0_lowered;
	s3 =	sadd.s32 s3, s5;
	[dreg:$0x0] =	wrdreg $0x0  }
0xae: {  	s5 =	sshll.u32 s28, $0x1;
	[dreg:$0x2] =	wrdreg s3  }
0xaf: {  	[dreg:$0x3] =	wrdreg s5  }
0xb0: {  	[dreg:$0x4] =	wrdreg $0xC0  }
0xb1: {  	_ =	task [dreg:s7], $0x5FFFF  }
0xb2: {  	[dreg:$0x1] =	wrdreg $0xFFFFFFFF  }
0xb3: {  	[dreg:$0x0] =	wrdreg $0x60  }
0xb4: {  	[dreg:$0x2] =	wrdreg s24  }
0xb5: {  	[dreg:$0x3] =	wrdreg s16  }
0xb6: {  	[dreg:$0x4] =	wrdreg $0x9  }
0xb7: {  	_ =	task.clear_ibuf [dreg:s7], $0x5FFFF;
	_ =	strace $0x90000049  }
0xb8: {  	s29 =	simm.s32 $0x9;
	_ =	strace $0x8000004B  }
0xb9: {  	_ =	swait.ge [sflag:s29], $0x1  }
0xba: {  	[sflag:s29] =	ssyncadd.s32 $0xFFFFFFFF  }
0xbb: {  	_ =	strace $0x9000004B  }
0xbc: {  	_ =	sfence  }
0xbd: {  	s30 =	sld [smem:$0x0];
	_ =	sdelay $0x2  }
0xbe: {  	s31 =	sshll.u32 s1, $0xD;
	s1 =	sshrl.u32 s1, $0x2  }
0xbf: {  	s3 =	sand.u32 $0x4000, s31;
	s1 =	sadd.s32 s1, s30  }
0xc0: {  	s0 =	sor.u32 s3, s0;
	s1 =	sshll.u32 s1, $0x11  }
0xc1: {  	s0 =	sor.u32 s1, s0  }
0xc2: {  	s0 =	sadd.s32 $0x8F2B, s0  }
0xc3: {  	[sflag:s0] =	ssyncadd.remote.s32 $0x1  }
0xc4: {  	_ =	sfence.sel $0xFFFF  }
0xc5: {  	[dreg:$0x0] =	wrdreg $0xFFFFFFFF;
	(pc) =	sbr.abs _section_cstart, $3  }
0xc6: {  	[dreg:$0x1] =	wrdreg $0xFFFFFFFF  }
0xc7: {  	_ =	task.clear_ibuf [dreg:s7], $0x2FFFF;
	_ =	strace $0x9FFFFFFF  }
0xc8: {  	(tm) =	ssettm $0x7FFFFFFF  }
0xc9: {  	_ =	shalt  }
tec
execute0_lowered:
.L_overlay_start_1:
0x0: {  	(tag) =	ssettag $0x1  }
0x1: {  	s2 =	srdreg.scid;
	s1 =	rddreg [dreg:$0x0]  }
0x2: {  	s4 =	rddreg [dreg:$0x1];
	s5 =	sand.u32 $0x1, s2;
	s2 =	simm.s32 $0x0  }
0x3: {  	s21 =	simm.s32 $0x80;
	[smem:$0x7FF] =	sst s2  }
0x4: {  	s22 =	simm.s32 $0x900;
	_ =	strace $0x8000004A;
	[dreg:$0x6] =	wrdreg s21  }
0x5: {  	s23 =	simm.s32 $0x1100;
	[dreg:$0x7] =	wrdreg s22  }
0x6: {  	s24 =	simm.s32 $0x1900;
	[dreg:$0x8] =	wrdreg s23  }
0x7: {  	s25 =	simm.s32 $0x2100;
	[dreg:$0x9] =	wrdreg s24  }
0x8: {  	s0 =	stileid.u32;
	s26 =	simm.s32 $0x2900;
	[dreg:$0xa] =	wrdreg s25  }
0x9: {  	s6 =	sshll.u32 s0, $0x3;
	s0 =	simm.s32 $0x3100;
	[dreg:$0xb] =	wrdreg s26  }
0xa: {  	s9 =	simm.s32 $0x5100;
	[dreg:$0xc] =	wrdreg s0  }
0xb: {  	s10 =	simm.s32 $0x5900;
	[dreg:$0x10] =	wrdreg s9  }
0xc: {  	s11 =	simm.s32 $0x6100;
	s12 =	simm.s32 $0x6900;
	[dreg:$0x11] =	wrdreg s10  }
0xd: {  	s13 =	simm.s32 $0x7100;
	s14 =	simm.s32 $0x7900;
	[dreg:$0x12] =	wrdreg s11  }
0xe: {  	s15 =	simm.s32 $0x8100;
	s16 =	simm.s32 $0x8900;
	[dreg:$0x13] =	wrdreg s12  }
0xf: {  	s18 =	simm.s32 $0x9100;
	s19 =	simm.s32 $0x9900;
	[dreg:$0x14] =	wrdreg s13  }
0x10: {  	s28 =	simm.s32 $0x15900;
	s29 =	simm.s32 $0x16100;
	[dreg:$0x15] =	wrdreg s14  }
0x11: {  	s30 =	simm.s32 $0x16900;
	s31 =	simm.s32 $0x17100;
	[dreg:$0x16] =	wrdreg s15  }
0x12: {  	s3 =	sshll.u32 s5, $0x7;
	s5 =	ssub.s32 $0x2, s5;
	[dreg:$0x17] =	wrdreg s16  }
0x13: {  	s3 =	sor.u32 s6, s3;
	s17 =	sshrl.u32 s5, $0x1;
	[dreg:$0x18] =	wrdreg s18  }
0x14: {  	[dreg:$0x19] =	wrdreg s19;
	s21 =	simm.s32 $0xA900;
	s22 =	simm.s32 $0xB100  }
0x15: {  	s23 =	simm.s32 $0xB900;
	s9 =	simm.s32 $0x2;
	s24 =	simm.s32 $0xC900  }
0x16: {  	s10 =	simm.s32 $0x100;
	s25 =	simm.s32 $0xD100;
	[dreg:$0x1b] =	wrdreg s21  }
0x17: {  	s11 =	simm.s32 $0xC100;
	s26 =	simm.s32 $0xD900;
	[dreg:$0x1c] =	wrdreg s22  }
0x18: {  	s13 =	simm.s32 $0xE900;
	s14 =	simm.s32 $0xF100;
	[dreg:$0x1d] =	wrdreg s23  }
0x19: {  	s15 =	simm.s32 $0xF900;
	s16 =	simm.s32 $0x10100;
	[dreg:$0x1e] =	wrdreg s24  }
0x1a: {  	s18 =	simm.s32 $0x11100;
	s19 =	simm.s32 $0x11900;
	[dreg:$0x1f] =	wrdreg s25  }
0x1b: {  	s6 =	smul.u32 $0x300, s3;
	s3 =	sadd.s32 s1, s3;
	[smem:$0x7FD] =	sst s26  }
0x1c: {  	s21 =	simm.s32 $0x12900;
	s22 =	simm.s32 $0x13100;
	s23 =	simm.s32 $0x13900  }
0x1d: {  	s24 =	simm.s32 $0x14100;
	s25 =	simm.s32 $0x14900;
	s7 =	sadd.s32 $0x200, s3  }
0x1e: {  	s26 =	simm.s32 $0x15100;
	[dreg:$0x3] =	wrdreg s7;
	s4 =	sadd.s32 s4, s6  }
0x1f: {  	s8 =	sadd.s32 s6, s1;
	s6 =	simm.s32 $0x3900;
	[dreg:$0x4] =	wrdreg s4  }
0x20: {  	s7 =	simm.s32 $0x4100;
	s20 =	sadd.s32 $0x400, s8;
	[dreg:$0xd] =	wrdreg s6  }
0x21: {  	[dreg:$0xe] =	wrdreg s7;
	s8 =	simm.s32 $0x4900;
	s4 =	sadd.s32 $0x9C400, s1  }
0x22: {  	s7 =	ssub.s32 s5, s17;
	s5 =	sadd.s32 $0x9C500, s1;
	s6 =	sadd.s32 $0x9C600, s1  }
0x23: {  	v2 =	vlaneseq.u32;
	s17 =	simm.s32 $0x10900;
	s1 =	simm.s32 $0x17900;
	[dreg:$0x5] =	wrdreg s20  }
0x24: {  	vm0 =	vmmov $0xffff;
	v1 =	vshrl.u32 v2, $0x3;
	[dreg:$0xf] =	wrdreg s8;
	s20 =	simm.s32 $0xA100;
	s7 =	smax.u32 s7, $0x1  }
0x25: {  	v0 =	vand.u32 $0x7, v2;
	v2 =	vor.u32 $0x8, v2;
	v1 =	vmul.u32 $0x8, v1;
	s8 =	simm.s32 $0x1;
	[dreg:$0x1a] =	wrdreg s20;
	s20 =	simm.s32 $0x12100  }
.LBB2_1:
0x26: {  	s0 =	rddreg [dreg:$0x3]  }
0x27: {  	[tilespmem:s2], [sflag:$0x1] =	stream.linear.gather [hbm4b:s3+s2], $0x40, $0x38;
	[tilespmem:$0x18100] =	vst v63  }
0x28: {  	s12 =	rddreg [dreg:$0x6]  }
0x29: {  	[tilespmem:s12], [sflag:$0x2] =	stream.linear.gather [hbm4b:s0+s2], $0x40, $0x38;
	[tilespmem:$0x18100] =	vst v63  }
0x2a: {  	_ =	swait.ge [sflag:s8], $0x40  }
0x2b: {  	[sflag:s8] =	ssyncset.done $0x0  }
0x2c: {  	[sflag:s8] =	ssyncadd.s32 $0xFFFFFFC0  }
0x2d: {  	_ =	swait.ge [sflag:s9], $0x40  }
0x2e: {  	[sflag:s9] =	ssyncset.done $0x0  }
0x2f: {  	[sflag:s9] =	ssyncadd.s32 $0xFFFFFFC0  }
0x30: {  	v3 =	vld [tilespmem:$0x0];
	_ =	sdelay $0x4  }
0x31: {  	v4 =	vshrl.u32 v3, $0x3  }
0x32: {  	v4 =	vmul.u32 $0x30, v4  }
0x33: {  	v3 =	vand.u32 $0x7, v3  }
0x34: {  	v3 =	vor.u32 v3, v4  }
0x35: {  	v4 =	vperm.xlane v3, v0;
	_ =	sdelay $0x1  }
0x36: {  	v4 =	vadd.s32 v1, v4;
	_ =	sdelay $0x3  }
0x37: {  	v3 =	vperm.xlane v3, v2  }
0x38: {  	[tilespmem:s10], [sflag:$0x1] =	stream.indirect_vreg.gather [hbm4b:s4+s2], $0x80, v4, vm0, $0xb8;
	[tilespmem:$0x18100] =	vst v63  }
0x39: {  	s0 =	rddreg [dreg:$0x7];
	v3 =	vadd.s32 v1, v3  }
0x3a: {  	[tilespmem:s0], [sflag:$0x1] =	stream.indirect_vreg.gather [hbm4b:s5+s2], $0x80, v4, vm0, $0xb8;
	[tilespmem:$0x18100] =	vst v63  }
0x3b: {  	s12 =	rddreg [dreg:$0x8]  }
0x3c: {  	[tilespmem:s12], [sflag:$0x1] =	stream.indirect_vreg.gather [hbm4b:s6+s2], $0x80, v4, vm0, $0xb8;
	[tilespmem:$0x18100] =	vst v63  }
0x3d: {  	s0 =	rddreg [dreg:$0x9]  }
0x3e: {  	[tilespmem:s0], [sflag:$0x1] =	stream.indirect_vreg.gather [hbm4b:s4+s2], $0x80, v3, vm0, $0xb8;
	[tilespmem:$0x18100] =	vst v63  }
0x3f: {  	s12 =	rddreg [dreg:$0xa]  }
0x40: {  	[tilespmem:s12], [sflag:$0x1] =	stream.indirect_vreg.gather [hbm4b:s5+s2], $0x80, v3, vm0, $0xb8;
	[tilespmem:$0x18100] =	vst v63  }
0x41: {  	s0 =	rddreg [dreg:$0xb]  }
0x42: {  	[tilespmem:s0], [sflag:$0x1] =	stream.indirect_vreg.gather [hbm4b:s6+s2], $0x80, v3, vm0, $0xb8;
	[tilespmem:$0x18100] =	vst v63  }
0x43: {  	v3 =	vld [tilespmem:$0x10];
	_ =	sdelay $0x4  }
0x44: {  	v57 =	vshrl.u32 v3, $0x3  }
0x45: {  	v4 =	vmul.u32 $0x30, v57  }
0x46: {  	v3 =	vand.u32 $0x7, v3  }
0x47: {  	v3 =	vor.u32 v3, v4  }
0x48: {  	v4 =	vperm.xlane v3, v0;
	_ =	sdelay $0x1  }
0x49: {  	v4 =	vadd.s32 v1, v4;
	_ =	sdelay $0x3  }
0x4a: {  	s0 =	rddreg [dreg:$0xc];
	v3 =	vperm.xlane v3, v2  }
0x4b: {  	[tilespmem:s0], [sflag:$0x1] =	stream.indirect_vreg.gather [hbm4b:s4+s2], $0x80, v4, vm0, $0xb8;
	[tilespmem:$0x18100] =	vst v63  }
0x4c: {  	s12 =	rddreg [dreg:$0xd];
	v3 =	vadd.s32 v1, v3  }
0x4d: {  	[tilespmem:s12], [sflag:$0x1] =	stream.indirect_vreg.gather [hbm4b:s5+s2], $0x80, v4, vm0, $0xb8;
	[tilespmem:$0x18100] =	vst v63  }
0x4e: {  	s0 =	rddreg [dreg:$0xe]  }
0x4f: {  	[tilespmem:s0], [sflag:$0x1] =	stream.indirect_vreg.gather [hbm4b:s6+s2], $0x80, v4, vm0, $0xb8;
	[tilespmem:$0x18100] =	vst v63  }
0x50: {  	s12 =	rddreg [dreg:$0xf]  }
0x51: {  	[tilespmem:s12], [sflag:$0x1] =	stream.indirect_vreg.gather [hbm4b:s4+s2], $0x80, v3, vm0, $0xb8;
	[tilespmem:$0x18100] =	vst v63  }
0x52: {  	s0 =	rddreg [dreg:$0x10]  }
0x53: {  	[tilespmem:s0], [sflag:$0x1] =	stream.indirect_vreg.gather [hbm4b:s5+s2], $0x80, v3, vm0, $0xb8;
	[tilespmem:$0x18100] =	vst v63  }
0x54: {  	s12 =	rddreg [dreg:$0x11]  }
0x55: {  	[tilespmem:s12], [sflag:$0x1] =	stream.indirect_vreg.gather [hbm4b:s6+s2], $0x80, v3, vm0, $0xb8;
	[tilespmem:$0x18100] =	vst v63  }
0x56: {  	v3 =	vld [tilespmem:$0x20];
	_ =	sdelay $0x4  }
0x57: {  	v58 =	vshrl.u32 v3, $0x3  }
0x58: {  	v4 =	vmul.u32 $0x30, v58  }
0x59: {  	v3 =	vand.u32 $0x7, v3  }
0x5a: {  	v3 =	vor.u32 v3, v4  }
0x5b: {  	v4 =	vperm.xlane v3, v0;
	_ =	sdelay $0x1  }
0x5c: {  	v4 =	vadd.s32 v1, v4;
	_ =	sdelay $0x3  }
0x5d: {  	s0 =	rddreg [dreg:$0x12];
	v3 =	vperm.xlane v3, v2  }
0x5e: {  	[tilespmem:s0], [sflag:$0x1] =	stream.indirect_vreg.gather [hbm4b:s4+s2], $0x80, v4, vm0, $0xb8;
	[tilespmem:$0x18100] =	vst v63  }
0x5f: {  	s12 =	rddreg [dreg:$0x13];
	v3 =	vadd.s32 v1, v3  }
0x60: {  	[tilespmem:s12], [sflag:$0x1] =	stream.indirect_vreg.gather [hbm4b:s5+s2], $0x80, v4, vm0, $0xb8;
	[tilespmem:$0x18100] =	vst v63  }
0x61: {  	s0 =	rddreg [dreg:$0x14]  }
0x62: {  	[tilespmem:s0], [sflag:$0x1] =	stream.indirect_vreg.gather [hbm4b:s6+s2], $0x80, v4, vm0, $0xb8;
	[tilespmem:$0x18100] =	vst v63  }
0x63: {  	s12 =	rddreg [dreg:$0x15]  }
0x64: {  	[tilespmem:s12], [sflag:$0x1] =	stream.indirect_vreg.gather [hbm4b:s4+s2], $0x80, v3, vm0, $0xb8;
	[tilespmem:$0x18100] =	vst v63  }
0x65: {  	s0 =	rddreg [dreg:$0x16]  }
0x66: {  	[tilespmem:s0], [sflag:$0x1] =	stream.indirect_vreg.gather [hbm4b:s5+s2], $0x80, v3, vm0, $0xb8;
	[tilespmem:$0x18100] =	vst v63  }
0x67: {  	s12 =	rddreg [dreg:$0x17]  }
0x68: {  	[tilespmem:s12], [sflag:$0x1] =	stream.indirect_vreg.gather [hbm4b:s6+s2], $0x80, v3, vm0, $0xb8;
	[tilespmem:$0x18100] =	vst v63  }
0x69: {  	v3 =	vld [tilespmem:$0x30];
	_ =	sdelay $0x4  }
0x6a: {  	v59 =	vshrl.u32 v3, $0x3  }
0x6b: {  	v4 =	vmul.u32 $0x30, v59  }
0x6c: {  	v3 =	vand.u32 $0x7, v3  }
0x6d: {  	v3 =	vor.u32 v3, v4  }
0x6e: {  	v4 =	vperm.xlane v3, v0;
	_ =	sdelay $0x1  }
0x6f: {  	v4 =	vadd.s32 v1, v4;
	_ =	sdelay $0x3  }
0x70: {  	s0 =	rddreg [dreg:$0x18];
	v3 =	vperm.xlane v3, v2  }
0x71: {  	[tilespmem:s0], [sflag:$0x1] =	stream.indirect_vreg.gather [hbm4b:s4+s2], $0x80, v4, vm0, $0xb8;
	[tilespmem:$0x18100] =	vst v63  }
0x72: {  	s12 =	rddreg [dreg:$0x19];
	v3 =	vadd.s32 v1, v3  }
0x73: {  	[tilespmem:s12], [sflag:$0x1] =	stream.indirect_vreg.gather [hbm4b:s5+s2], $0x80, v4, vm0, $0xb8;
	[tilespmem:$0x18100] =	vst v63  }
0x74: {  	s0 =	rddreg [dreg:$0x1a]  }
0x75: {  	[tilespmem:s0], [sflag:$0x1] =	stream.indirect_vreg.gather [hbm4b:s6+s2], $0x80, v4, vm0, $0xb8;
	[tilespmem:$0x18100] =	vst v63  }
0x76: {  	s12 =	rddreg [dreg:$0x1b]  }
0x77: {  	[tilespmem:s12], [sflag:$0x1] =	stream.indirect_vreg.gather [hbm4b:s4+s2], $0x80, v3, vm0, $0xb8;
	[tilespmem:$0x18100] =	vst v63  }
0x78: {  	s0 =	rddreg [dreg:$0x1c]  }
0x79: {  	[tilespmem:s0], [sflag:$0x1] =	stream.indirect_vreg.gather [hbm4b:s5+s2], $0x80, v3, vm0, $0xb8;
	[tilespmem:$0x18100] =	vst v63  }
0x7a: {  	s12 =	rddreg [dreg:$0x1d]  }
0x7b: {  	[tilespmem:s12], [sflag:$0x1] =	stream.indirect_vreg.gather [hbm4b:s6+s2], $0x80, v3, vm0, $0xb8;
	[tilespmem:$0x18100] =	vst v63  }
0x7c: {  	v3 =	vld [tilespmem:$0x80];
	_ =	sdelay $0x4  }
0x7d: {  	v60 =	vshrl.u32 v3, $0x3  }
0x7e: {  	v4 =	vmul.u32 $0x30, v60  }
0x7f: {  	v3 =	vand.u32 $0x7, v3  }
0x80: {  	v3 =	vor.u32 v3, v4  }
0x81: {  	v4 =	vperm.xlane v3, v0;
	_ =	sdelay $0x1  }
0x82: {  	v4 =	vadd.s32 v1, v4;
	_ =	sdelay $0x3  }
0x83: {  	s0 =	rddreg [dreg:$0x1e];
	v3 =	vperm.xlane v3, v2  }
0x84: {  	[tilespmem:s11], [sflag:$0x2] =	stream.indirect_vreg.gather [hbm4b:s4+s2], $0x80, v4, vm0, $0xb8;
	[tilespmem:$0x18100] =	vst v63  }
0x85: {  	s12 =	rddreg [dreg:$0x1f];
	v3 =	vadd.s32 v1, v3  }
0x86: {  	[tilespmem:s0], [sflag:$0x2] =	stream.indirect_vreg.gather [hbm4b:s5+s2], $0x80, v4, vm0, $0xb8;
	[tilespmem:$0x18100] =	vst v63  }
0x87: {  	s0 =	sld [smem:$0x7FD]  }
0x88: {  	[tilespmem:s12], [sflag:$0x2] =	stream.indirect_vreg.gather [hbm4b:s6+s2], $0x80, v4, vm0, $0xb8;
	[tilespmem:$0x18100] =	vst v63  }
0x89: {  	_ = 	snop  }
0x8a: {  	[tilespmem:s0], [sflag:$0x2] =	stream.indirect_vreg.gather [hbm4b:s4+s2], $0x80, v3, vm0, $0xb8;
	[tilespmem:$0x18100] =	vst v63  }
0x8b: {  	s12 =	simm.s32 $0xE100  }
0x8c: {  	[tilespmem:s12], [sflag:$0x2] =	stream.indirect_vreg.gather [hbm4b:s5+s2], $0x80, v3, vm0, $0xb8;
	[tilespmem:$0x18100] =	vst v63  }
0x8d: {  	_ = 	snop  }
0x8e: {  	[tilespmem:s13], [sflag:$0x2] =	stream.indirect_vreg.gather [hbm4b:s6+s2], $0x80, v3, vm0, $0xb8;
	[tilespmem:$0x18100] =	vst v63  }
0x8f: {  	v3 =	vld [tilespmem:$0x90];
	_ =	sdelay $0x4  }
0x90: {  	v61 =	vshrl.u32 v3, $0x3  }
0x91: {  	v4 =	vmul.u32 $0x30, v61  }
0x92: {  	v3 =	vand.u32 $0x7, v3  }
0x93: {  	v3 =	vor.u32 v3, v4  }
0x94: {  	v4 =	vperm.xlane v3, v0;
	_ =	sdelay $0x1  }
0x95: {  	v4 =	vadd.s32 v1, v4;
	_ =	sdelay $0x3  }
0x96: {  	v3 =	vperm.xlane v3, v2  }
0x97: {  	[tilespmem:s14], [sflag:$0x2] =	stream.indirect_vreg.gather [hbm4b:s4+s2], $0x80, v4, vm0, $0xb8;
	[tilespmem:$0x18100] =	vst v63  }
0x98: {  	v3 =	vadd.s32 v1, v3  }
0x99: {  	[tilespmem:s15], [sflag:$0x2] =	stream.indirect_vreg.gather [hbm4b:s5+s2], $0x80, v4, vm0, $0xb8;
	[tilespmem:$0x18100] =	vst v63  }
0x9a: {  	_ = 	snop  }
0x9b: {  	[tilespmem:s16], [sflag:$0x2] =	stream.indirect_vreg.gather [hbm4b:s6+s2], $0x80, v4, vm0, $0xb8;
	[tilespmem:$0x18100] =	vst v63  }
0x9c: {  	_ = 	snop  }
0x9d: {  	[tilespmem:s17], [sflag:$0x2] =	stream.indirect_vreg.gather [hbm4b:s4+s2], $0x80, v3, vm0, $0xb8;
	[tilespmem:$0x18100] =	vst v63  }
0x9e: {  	_ = 	snop  }
0x9f: {  	[tilespmem:s18], [sflag:$0x2] =	stream.indirect_vreg.gather [hbm4b:s5+s2], $0x80, v3, vm0, $0xb8;
	[tilespmem:$0x18100] =	vst v63  }
0xa0: {  	_ = 	snop  }
0xa1: {  	[tilespmem:s19], [sflag:$0x2] =	stream.indirect_vreg.gather [hbm4b:s6+s2], $0x80, v3, vm0, $0xb8;
	[tilespmem:$0x18100] =	vst v63  }
0xa2: {  	v3 =	vld [tilespmem:$0xA0];
	_ =	sdelay $0x4  }
0xa3: {  	v62 =	vshrl.u32 v3, $0x3  }
0xa4: {  	v4 =	vmul.u32 $0x30, v62  }
0xa5: {  	v3 =	vand.u32 $0x7, v3  }
0xa6: {  	v3 =	vor.u32 v3, v4  }
0xa7: {  	v4 =	vperm.xlane v3, v0;
	_ =	sdelay $0x1  }
0xa8: {  	v4 =	vadd.s32 v1, v4;
	_ =	sdelay $0x3  }
0xa9: {  	v3 =	vperm.xlane v3, v2  }
0xaa: {  	[tilespmem:s20], [sflag:$0x2] =	stream.indirect_vreg.gather [hbm4b:s4+s2], $0x80, v4, vm0, $0xb8;
	[tilespmem:$0x18100] =	vst v63  }
0xab: {  	v3 =	vadd.s32 v1, v3  }
0xac: {  	[tilespmem:s21], [sflag:$0x2] =	stream.indirect_vreg.gather [hbm4b:s5+s2], $0x80, v4, vm0, $0xb8;
	[tilespmem:$0x18100] =	vst v63  }
0xad: {  	_ = 	snop  }
0xae: {  	[tilespmem:s22], [sflag:$0x2] =	stream.indirect_vreg.gather [hbm4b:s6+s2], $0x80, v4, vm0, $0xb8;
	[tilespmem:$0x18100] =	vst v63  }
0xaf: {  	_ = 	snop  }
0xb0: {  	[tilespmem:s23], [sflag:$0x2] =	stream.indirect_vreg.gather [hbm4b:s4+s2], $0x80, v3, vm0, $0xb8;
	[tilespmem:$0x18100] =	vst v63  }
0xb1: {  	_ = 	snop  }
0xb2: {  	[tilespmem:s24], [sflag:$0x2] =	stream.indirect_vreg.gather [hbm4b:s5+s2], $0x80, v3, vm0, $0xb8;
	[tilespmem:$0x18100] =	vst v63  }
0xb3: {  	_ = 	snop  }
0xb4: {  	[tilespmem:s25], [sflag:$0x2] =	stream.indirect_vreg.gather [hbm4b:s6+s2], $0x80, v3, vm0, $0xb8;
	[tilespmem:$0x18100] =	vst v63  }
0xb5: {  	v3 =	vld [tilespmem:$0xB0];
	_ =	sdelay $0x4  }
0xb6: {  	v63 =	vshrl.u32 v3, $0x3  }
0xb7: {  	v4 =	vmul.u32 $0x30, v63  }
0xb8: {  	v3 =	vand.u32 $0x7, v3  }
0xb9: {  	v3 =	vor.u32 v3, v4  }
0xba: {  	v4 =	vperm.xlane v3, v0;
	_ =	sdelay $0x1  }
0xbb: {  	v4 =	vadd.s32 v1, v4;
	_ =	sdelay $0x3  }
0xbc: {  	v3 =	vperm.xlane v3, v2  }
0xbd: {  	[tilespmem:s26], [sflag:$0x2] =	stream.indirect_vreg.gather [hbm4b:s4+s2], $0x80, v4, vm0, $0xb8;
	[tilespmem:$0x18100] =	vst v63  }
0xbe: {  	v3 =	vadd.s32 v1, v3  }
0xbf: {  	[tilespmem:s28], [sflag:$0x2] =	stream.indirect_vreg.gather [hbm4b:s5+s2], $0x80, v4, vm0, $0xb8;
	[tilespmem:$0x18100] =	vst v63  }
0xc0: {  	_ = 	snop  }
0xc1: {  	[tilespmem:s29], [sflag:$0x2] =	stream.indirect_vreg.gather [hbm4b:s6+s2], $0x80, v4, vm0, $0xb8;
	[tilespmem:$0x18100] =	vst v63  }
0xc2: {  	_ = 	snop  }
0xc3: {  	[tilespmem:s30], [sflag:$0x2] =	stream.indirect_vreg.gather [hbm4b:s4+s2], $0x80, v3, vm0, $0xb8;
	[tilespmem:$0x18100] =	vst v63  }
0xc4: {  	_ = 	snop  }
0xc5: {  	[tilespmem:s31], [sflag:$0x2] =	stream.indirect_vreg.gather [hbm4b:s5+s2], $0x80, v3, vm0, $0xb8;
	[tilespmem:$0x18100] =	vst v63  }
0xc6: {  	_ = 	snop  }
0xc7: {  	[tilespmem:s1], [sflag:$0x2] =	stream.indirect_vreg.gather [hbm4b:s6+s2], $0x80, v3, vm0, $0xb8;
	[tilespmem:$0x18100] =	vst v63  }
0xc8: {  	_ =	swait.ge [sflag:s8], $0xC000  }
0xc9: {  	[sflag:s8] =	ssyncset.done $0x0  }
0xca: {  	[sflag:s8] =	ssyncadd.s32 $0xFFFF4000  }
0xcb: {  	_ =	swait.ge [sflag:s9], $0xC000  }
0xcc: {  	[sflag:s9] =	ssyncset.done $0x0  }
0xcd: {  	s0 =	rddreg [dreg:$0x4];
	[sflag:s9] =	ssyncadd.s32 $0xFFFF4000  }
0xce: {  	[hbm4b:s0+s2] =	stream.linear.scatter [tilespmem:s10], [sflag:$0x1], $0xC000, $0x38;
	[tilespmem:$0x18100] =	vst v63  }
0xcf: {  	s12 =	rddreg [dreg:$0x5]  }
0xd0: {  	[hbm4b:s12+s2] =	stream.linear.scatter [tilespmem:s11], [sflag:$0x2], $0xC000, $0x38;
	[tilespmem:$0x18100] =	vst v63  }
0xd1: {  	p0 =	sne.s32 s7, $0x1;
	_ =	swait.ge [sflag:s8], $0xC000  }
.Ltmp0:
0xd2: {  	[sflag:s8] =	ssyncset.done $0x0;
	(pc) =	sbr.rel @p0 .LBB2_1-.Ltmp0, $4  }
0xd3: {  	[sflag:s8] =	ssyncadd.s32 $0xFFFF4000  }
0xd4: {  	_ =	swait.ge [sflag:s9], $0xC000  }
0xd5: {  	[sflag:s9] =	ssyncset.done $0x0  }
0xd6: {  	s7 =	sadd.s32 $0xFFFFFFFF, s7;
	[sflag:s9] =	ssyncadd.s32 $0xFFFF4000  }
0xd7: {  	_ =	sfence.sel $0x180000  }
0xd8: {  	[bflag:$0x0] =	sbarrier.arrive $0xFFFF  }
0xd9: {  	_ =	strace $0x9000004A  }
0xda: {  	s0 =	stileid.u32;
	[bflag:$0x2] =	sbarrier.arrive $0xFFFF  }
0xdb: {  	p0 =	sne.s32 s0, $0x0;
	s0 =	rddreg [dreg:$0x2]  }
0xdc: {  	s0 =	sadd.s32 @!p0 $0x100000, s0  }
0xdd: {  	[sflag:s0] =	ssyncadd.tile.s32 @!p0 $0x1;
	_ =	shalt  }
.Lfunc_end2:
_tile_overlayer_lowered:
.L_overlay_start_2:
0xde: {  	(tag) =	ssettag $0x2  }
0xdf: {  	s0 =	rddreg [dreg:$0x0];
	s2 =	stileid.u32  }
0xe0: {  	s1 =	rddreg [dreg:$0x1];
	p0 =	sne.s32 s2, $0x0  }
0xe1: {  	s3 =	rddreg [dreg:$0x2];
	[bflag:$0x3] =	sbarrier.arrive $0xFFFF;
	s2 =	simm.s32 @!p0 $0x1C03  }
0xe2: {  	[timem:s3], [sflag:s2] =	dma.local @!p0 [hbm:s0], s1  }
0xe3: {  	s0 =	simm.s32 @!p0 $0x3  }
0xe4: {  	_ =	swait.ge @!p0 [sflag:s0], s1  }
0xe5: {  	s1 =	ssub.s32 @!p0 $0x0, s1;
	[sflag:s0] =	ssyncset.done @!p0 $0x0  }
0xe6: {  	[sflag:s0] =	ssyncadd.s32 @!p0 s1  }
0xe7: {  	[bflag:$0x3] =	sbarrier.arrive $0xFFFF  }
0xe8: {  	_ =	shalt  }

// kernel: kernel.7.cloned.1.call-start
scs
__scs_entry_jumppad:
0x0: {  	(pc) =	sbr.rel $0x88, $3  }
0x1: {  	(tag) =	ssettag $0x0;
	lr =	simm.s32 $0x1  }
0x2: {  	[smem:$0x3F9B] =	sst lr;
	_ =	strace $0xD0000000  }
0x3: {  	_ = 	snop  }
0x4: {  	_ = 	snop  }
0x5: {  	_ = 	snop  }
0x6: {  	_ = 	snop  }
0x7: {  	_ = 	snop  }
__scs_overlays_trampoline_lowered:
0x8: {  	[smem:$0x3FAA] =	sst s0  }
0x9: {  	[smem:$0x3FAB] =	sst s1  }
0xa: {  	[smem:$0x3FAC] =	sst s2  }
0xb: {  	[smem:$0x3FAD] =	sst s3  }
0xc: {  	[smem:$0x3FAE] =	sst s4  }
0xd: {  	[smem:$0x3FAF] =	sst s5  }
0xe: {  	[smem:$0x3FB0] =	sst s6  }
0xf: {  	[smem:$0x3FB1] =	sst s7  }
0x10: {  	[smem:$0x3FB2] =	sst s8  }
0x11: {  	[smem:$0x3FB3] =	sst s9;
	s0 =	simm.s32 @!p0 $0x0  }
0x12: {  	s1 =	sld [smem:$0x3F99];
	s0 =	simm.s32 @p0 $0x1  }
0x13: {  	[smem:$0x3FB4] =	sst s0;
	s0 =	simm.s32 @!p1 $0x0  }
0x14: {  	s2 =	sld [smem:$0x3F98];
	s0 =	simm.s32 @p1 $0x1  }
0x15: {  	[smem:$0x3FB5] =	sst s0;
	s0 =	simm.s32 @!p2 $0x0  }
0x16: {  	s3 =	sld [smem:$0x3FDB];
	s0 =	simm.s32 @p2 $0x1  }
0x17: {  	s4 =	simm.s32 $0x1BF5;
	[smem:$0x3FB7] =	sst s0  }
0x18: {  	s0 =	sld [smem:$0x3F9A];
	_ =	swait.ge [sflag:s4], $0x0  }
0x19: {  	s7 =	sld [smem:$0x3F9B]  }
0x1a: {  	s8 =	sadd.s32 $0xFFFFE003, lr  }
0x1b: {  	s9 =	sadd.s32 $0xFFFFFEF7, lr;
	s5 =	simm.s32 $0xFFFFFFFF;
	p2 =	slt.u32 s8, $0xFFFFF086  }
0x1c: {  	p1 =	slt.u32 s9, $0xF7A;
	s5 =	simm.s32 @!p2 $0x0  }
0x1d: {  	s5 =	simm.s32 @p1 $0x1;
	p0 =	seq.s32 s7, s2  }
0x1e: {  	s7 =	smul.u32 @!p0 $0xF7A, s2;
	p2 =	seq.s32 @!p0 s5, $0x0  }
0x1f: {  	s9 =	smul.u32 $0xF7A, s1;
	s8 =	simm.s32 @!p0 $0x1BF5;
	p2 =	por !p2, p0  }
0x20: {  	[sflag:s8] =	ssyncset.s32 @!p0 $0xFFFFF086;
	s6 =	sadd.s32 @!p0 s3, s7;
	s7 =	simm.s32 @!p0 $0x108  }
0x21: {  	s3 =	sadd.s32 s3, s9;
	s6 =	sadd.s32 @!p0 $0x88, s6;
	s7 =	simm.s32 @p2 $0x1082  }
0x22: {  	[simem:s7], [sflag:s8] =	dma.local @!p0 [hbm:s6], $0xF7A  }
0x23: {  	s9 =	sor.u32 $0xD0000000, s2;
	s6 =	simm.s32 $0x108;
	_ =	swait.ge @!p0 [sflag:s8], $0x0  }
0x24: {  	s3 =	sadd.s32 $0x88, s3;
	s6 =	simm.s32 @!p1 $0x1082;
	[sflag:s4] =	ssyncset.s32 $0xFFFFF086  }
0x25: {  	[simem:s6], [sflag:s4] =	dma.local [hbm:s3], $0xF7A  }
0x26: {  	[smem:$0x3F9B] =	sst s1;
	(tag) =	ssettag s2;
	_ =	strace s9  }
0x27: {  	s1 =	sld [smem:$0x3FAB]  }
0x28: {  	s2 =	sld [smem:$0x3FAC]  }
0x29: {  	s4 =	sld [smem:$0x3FAE]  }
0x2a: {  	p0 =	seq.s32 s5, $0x0;
	s5 =	sld [smem:$0x3FAF]  }
0x2b: {  	s6 =	sld [smem:$0x3FB0]  }
0x2c: {  	s7 =	sld [smem:$0x3FB1]  }
0x2d: {  	s3 =	simm.s32 $0x108;
	s8 =	sld [smem:$0x3FB2]  }
0x2e: {  	s3 =	simm.s32 @!p0 $0x1082;
	s9 =	sld [smem:$0x3FB3]  }
0x2f: {  	lr =	sadd.s32 s0, s3;
	s0 =	sld [smem:$0x3FAA]  }
0x30: {  	s3 =	sld [smem:$0x3FAD]  }
0x31: {  	[smem:$0x3FB6] =	sst s10  }
0x32: {  	s10 =	sld [smem:$0x3FB4];
	_ =	sdelay $0x3  }
0x33: {  	p0 =	seq.s32 s10, $0x1;
	s10 =	sld [smem:$0x3FB6];
	_ =	sdelay $0x3  }
0x34: {  	[smem:$0x3FB6] =	sst s10  }
0x35: {  	s10 =	sld [smem:$0x3FB5];
	_ =	sdelay $0x3  }
0x36: {  	p1 =	seq.s32 s10, $0x1;
	s10 =	sld [smem:$0x3FB6];
	_ =	sdelay $0x3  }
0x37: {  	[smem:$0x3FB6] =	sst s10  }
0x38: {  	s10 =	sld [smem:$0x3FB7]  }
0x39: {  	_ = 	snop;
	(pc) =	sbr.ind lr, $3  }
0x3a: {  	_ = 	snop  }
0x3b: {  	_ = 	snop  }
0x3c: {  	p2 =	seq.s32 s10, $0x1;
	s10 =	sld [smem:$0x3FB6]  }
0x3d: {  	_ =	shalt  }
0x3e: {  	_ =	shalt  }
0x3f: {  	_ =	shalt  }
0x40: {  	_ =	shalt  }
0x41: {  	_ =	shalt  }
0x42: {  	_ =	shalt  }
0x43: {  	_ =	shalt  }
0x44: {  	_ =	shalt  }
0x45: {  	_ =	shalt  }
0x46: {  	_ =	shalt  }
0x47: {  	_ =	shalt  }
0x48: {  	_ =	shalt  }
0x49: {  	_ =	shalt  }
0x4a: {  	_ =	shalt  }
0x4b: {  	_ =	shalt  }
0x4c: {  	_ =	shalt  }
0x4d: {  	_ =	shalt  }
0x4e: {  	_ =	shalt  }
0x4f: {  	_ =	shalt  }
0x50: {  	_ =	shalt  }
0x51: {  	_ =	shalt  }
0x52: {  	_ =	shalt  }
0x53: {  	_ =	shalt  }
0x54: {  	_ =	shalt  }
0x55: {  	_ =	shalt  }
0x56: {  	_ =	shalt  }
0x57: {  	_ =	shalt  }
0x58: {  	_ =	shalt  }
0x59: {  	_ =	shalt  }
0x5a: {  	_ =	shalt  }
0x5b: {  	_ =	shalt  }
0x5c: {  	_ =	shalt  }
0x5d: {  	_ =	shalt  }
0x5e: {  	_ =	shalt  }
0x5f: {  	_ =	shalt  }
0x60: {  	_ =	shalt  }
0x61: {  	_ =	shalt  }
0x62: {  	_ =	shalt  }
0x63: {  	_ =	shalt  }
0x64: {  	_ =	shalt  }
0x65: {  	_ =	shalt  }
0x66: {  	_ =	shalt  }
0x67: {  	_ =	shalt  }
0x68: {  	_ =	shalt  }
0x69: {  	_ =	shalt  }
0x6a: {  	_ =	shalt  }
0x6b: {  	_ =	shalt  }
0x6c: {  	_ =	shalt  }
0x6d: {  	_ =	shalt  }
0x6e: {  	_ =	shalt  }
0x6f: {  	_ =	shalt  }
0x70: {  	_ =	shalt  }
0x71: {  	_ =	shalt  }
0x72: {  	_ =	shalt  }
0x73: {  	_ =	shalt  }
0x74: {  	_ =	shalt  }
0x75: {  	_ =	shalt  }
0x76: {  	_ =	shalt  }
0x77: {  	_ =	shalt  }
0x78: {  	_ =	shalt  }
0x79: {  	_ =	shalt  }
0x7a: {  	_ =	shalt  }
0x7b: {  	_ =	shalt  }
0x7c: {  	_ =	shalt  }
0x7d: {  	_ =	shalt  }
0x7e: {  	_ =	shalt  }
0x7f: {  	_ =	shalt  }
0x80: {  	_ =	shalt  }
0x81: {  	_ =	shalt  }
0x82: {  	_ =	shalt  }
0x83: {  	_ =	shalt  }
0x84: {  	_ =	shalt  }
0x85: {  	_ =	shalt  }
0x86: {  	_ =	shalt  }
0x87: {  	_ =	shalt  }
.Lfunc_end0:
.L_simem_size_0:
called_computation_lowered:
.L_overlay_start_0:
0x88: {  	s2 =	sld [smem:$0x3FD9]  }
0x89: {  	s3 =	sld [smem:$0x3FFE];
	_ =	sdelay $0x1  }
0x8a: {  	s1 =	srdreg.scid  }
0x8b: {  	s0 =	sand.u32 $0x1, s1  }
0x8c: {  	s17 =	sshll.u32 s0, $0xA;
	s2 =	sadd.s32 s3, s2  }
0x8d: {  	s2 =	sadd.s32 s2, s17  }
0x8e: {  	[smem:$0x3FC2] =	sst s2  }
0x8f: {  	_ = 	snop  }
0x90: {  	s2 =	sld [smem:$0x3FC9];
	(tm) =	ssettm $0x1  }
0x91: {  	s18 =	sld [smem:$0x3FFB];
	_ =	sdelay $0x3  }
0x92: {  	_ =	strace s18  }
0x93: {  	s3 =	sld [smem:$0x3FFC];
	_ =	sdelay $0x3  }
0x94: {  	_ =	strace s3  }
0x95: {  	s3 =	sld [smem:$0x3FFD];
	_ =	sdelay $0x3  }
0x96: {  	_ =	strace s3  }
0x97: {  	_ =	strace $0x8FFFFFFF  }
0x98: {  	s19 =	sld [smem:$0x3FDB];
	_ =	sdelay $0x1  }
0x99: {  	s4 =	simm.s32 $_scs_section_size  }
0x9a: {  	s5 =	simm.s32 $_size__tile_overlayer_lowered;
	s6 =	simm.s32 $_tile_overlayer_lowered  }
0x9b: {  	s22 =	simm.s32 $0x1BFF;
	s21 =	sshll.u32 s6, $0x1;
	s3 =	sadd.s32 s4, s19  }
0x9c: {  	s7 =	simm.s32 $0x0;
	s20 =	sshll.u32 s5, $0x1;
	s5 =	sadd.s32 s21, s3  }
0x9d: {  	[timem:s7], [sflag:s22] =	dma.local [hbm:s5], s20  }
0x9e: {  	_ =	swait.ge [sflag:s22], s20  }
0x9f: {  	s4 =	ssub.s32 $0x0, s20;
	[sflag:s22] =	ssyncset.done $0x0  }
0xa0: {  	[sflag:s22] =	ssyncadd.s32 s4;
	_ =	sdelay $0x1  }
0xa1: {  	s23 =	simm.s32 $0x1B8B  }
0xa2: {  	_ =	swait.ge [sflag:s23], $0x1  }
0xa3: {  	[sflag:s23] =	ssyncset.done $0x0  }
0xa4: {  	s25 =	simm.s32 $0x1B8E;
	s24 =	sld [smem:$0x3FFE];
	[sflag:s23] =	ssyncadd.s32 $0xFFFFFFFF  }
0xa5: {  	s26 =	simm.s32 $execute0_lowered;
	[smem:$0x3FD2] =	sst s25  }
0xa6: {  	s5 =	sshll.u32 s26, $0x1;
	_ =	strace $0x80000046;
	[dreg:$0x1] =	wrdreg $0xFFFFFFFF  }
0xa7: {  	s28 =	simm.s32 $_size_execute0_lowered;
	s3 =	sadd.s32 s3, s5;
	[dreg:$0x0] =	wrdreg $0x0  }
0xa8: {  	s5 =	sshll.u32 s28, $0x1;
	[dreg:$0x2] =	wrdreg s3  }
0xa9: {  	[dreg:$0x3] =	wrdreg s5  }
0xaa: {  	[dreg:$0x4] =	wrdreg $0xC0  }
0xab: {  	_ =	task [dreg:s7], $0x5FFFF  }
0xac: {  	[dreg:$0x1] =	wrdreg $0xFFFFFFFF  }
0xad: {  	[dreg:$0x0] =	wrdreg $0x60  }
0xae: {  	[dreg:$0x2] =	wrdreg s2  }
0xaf: {  	[dreg:$0x3] =	wrdreg s24  }
0xb0: {  	[dreg:$0x4] =	wrdreg $0x9  }
0xb1: {  	_ =	task.clear_ibuf [dreg:s7], $0x5FFFF;
	_ =	strace $0x90000046  }
0xb2: {  	s29 =	simm.s32 $0x9;
	_ =	strace $0x80000048  }
0xb3: {  	_ =	swait.ge [sflag:s29], $0x1  }
0xb4: {  	[sflag:s29] =	ssyncadd.s32 $0xFFFFFFFF  }
0xb5: {  	_ =	strace $0x90000048  }
0xb6: {  	_ =	sfence  }
0xb7: {  	s30 =	sld [smem:$0x0];
	_ =	sdelay $0x2  }
0xb8: {  	s31 =	sshll.u32 s1, $0xD;
	s1 =	sshrl.u32 s1, $0x2  }
0xb9: {  	s3 =	sand.u32 $0x4000, s31;
	s1 =	sadd.s32 s1, s30  }
0xba: {  	s0 =	sor.u32 s3, s0;
	s1 =	sshll.u32 s1, $0x11  }
0xbb: {  	s0 =	sor.u32 s1, s0  }
0xbc: {  	s0 =	sadd.s32 $0x8F2B, s0  }
0xbd: {  	[sflag:s0] =	ssyncadd.remote.s32 $0x1  }
0xbe: {  	_ =	sfence.sel $0xFFFF  }
0xbf: {  	[dreg:$0x0] =	wrdreg $0xFFFFFFFF;
	(pc) =	sbr.abs _section_cstart, $3  }
0xc0: {  	[dreg:$0x1] =	wrdreg $0xFFFFFFFF  }
0xc1: {  	_ =	task.clear_ibuf [dreg:s7], $0x2FFFF;
	_ =	strace $0x9FFFFFFF  }
0xc2: {  	(tm) =	ssettm $0x7FFFFFFF  }
0xc3: {  	_ =	shalt  }
tec
execute0_lowered:
.L_overlay_start_1:
0x0: {  	(tag) =	ssettag $0x1  }
0x1: {  	s0 =	rddreg [dreg:$0x0]  }
0x2: {  	s1 =	rddreg [dreg:$0x1];
	s3 =	srdreg.scid;
	s2 =	simm.s32 $0x0  }
0x3: {  	s5 =	stileid.u32;
	s26 =	simm.s32 $0x80;
	s9 =	simm.s32 $0x1  }
0x4: {  	s10 =	simm.s32 $0x2;
	s11 =	simm.s32 $0x100;
	s16 =	simm.s32 $0x2100  }
0x5: {  	s17 =	simm.s32 $0x2900;
	s18 =	simm.s32 $0x3100;
	s19 =	simm.s32 $0x3900  }
0x6: {  	s20 =	simm.s32 $0x4100;
	s21 =	simm.s32 $0x4900;
	s22 =	simm.s32 $0x5100  }
0x7: {  	s23 =	simm.s32 $0x5900;
	s24 =	simm.s32 $0x6100;
	s25 =	simm.s32 $0x6900  }
0x8: {  	s28 =	simm.s32 $0x7900;
	s29 =	simm.s32 $0x8100;
	s30 =	simm.s32 $0x8900  }
0x9: {  	s31 =	simm.s32 $0x9100;
	s12 =	simm.s32 $0xB100;
	s8 =	simm.s32 $0xB900  }
0xa: {  	s3 =	sand.u32 $0x1, s3;
	[smem:$0x7FF] =	sst s2;
	s5 =	sshll.u32 s5, $0x3  }
0xb: {  	s4 =	sshll.u32 s3, $0x7;
	_ =	strace $0x80000047;
	s3 =	ssub.s32 $0x2, s3  }
0xc: {  	[dreg:$0x5] =	wrdreg s26;
	s26 =	simm.s32 $0x7100;
	s4 =	sor.u32 s5, s4  }
0xd: {  	s6 =	sshrl.u32 s3, $0x1;
	s7 =	sadd.s32 s1, s4;
	s5 =	smul.u32 $0x300, s4  }
0xe: {  	s4 =	sadd.s32 $0x400, s1;
	[dreg:$0x6] =	wrdreg s7;
	s7 =	sadd.s32 $0x200, s7  }
0xf: {  	v2 =	vlaneseq.u32;
	s3 =	ssub.s32 s3, s6;
	s6 =	sadd.s32 $0x600, s1;
	[dreg:$0x3] =	wrdreg s7  }
0x10: {  	vm0 =	vmmov $0xffff;
	v1 =	vshrl.u32 v2, $0x3;
	s0 =	sadd.s32 s0, s5;
	s5 =	sadd.s32 $0x500, s1;
	s7 =	smax.u32 s3, $0x1  }
0x11: {  	v0 =	vand.u32 $0x7, v2;
	v2 =	vor.u32 $0x8, v2;
	v1 =	vmul.u32 $0x8, v1;
	s1 =	simm.s32 $0xA100;
	s3 =	simm.s32 $0xA900;
	[dreg:$0x4] =	wrdreg s0  }
.LBB2_1:
0x12: {  	s13 =	rddreg [dreg:$0x3]  }
0x13: {  	s15 =	rddreg [dreg:$0x6]  }
0x14: {  	[tilespmem:s2], [sflag:$0x1] =	stream.linear.gather [hbm4b:s15+s2], $0x40, $0x38;
	[tilespmem:$0xC100] =	vst v63  }
0x15: {  	s14 =	rddreg [dreg:$0x5]  }
0x16: {  	[tilespmem:s14], [sflag:$0x2] =	stream.linear.gather [hbm4b:s13+s2], $0x40, $0x38;
	[tilespmem:$0xC100] =	vst v63  }
0x17: {  	s0 =	rddreg [dreg:$0x4]  }
0x18: {  	[tilespmem:s11], [sflag:$0x3] =	stream.linear.gather [hbm4b:s0+s2], $0xC000, $0x38;
	[tilespmem:$0xC100] =	vst v63  }
0x19: {  	_ =	swait.ge [sflag:s9], $0x40  }
0x1a: {  	[sflag:s9] =	ssyncset.done $0x0  }
0x1b: {  	[sflag:s9] =	ssyncadd.s32 $0xFFFFFFC0  }
0x1c: {  	_ =	swait.ge [sflag:s10], $0x40  }
0x1d: {  	[sflag:s10] =	ssyncset.done $0x0  }
0x1e: {  	s0 =	simm.s32 $0x3;
	[sflag:s10] =	ssyncadd.s32 $0xFFFFFFC0  }
0x1f: {  	_ =	swait.ge [sflag:s0], $0xC000  }
0x20: {  	[sflag:s0] =	ssyncset.done $0x0  }
0x21: {  	[sflag:s0] =	ssyncadd.s32 $0xFFFF4000  }
0x22: {  	v3 =	vld [tilespmem:$0x0];
	_ =	sdelay $0x4  }
0x23: {  	v4 =	vshrl.u32 v3, $0x3  }
0x24: {  	v4 =	vmul.u32 $0x30, v4  }
0x25: {  	v3 =	vand.u32 $0x7, v3  }
0x26: {  	v3 =	vor.u32 v3, v4  }
0x27: {  	v4 =	vperm.xlane v3, v0;
	_ =	sdelay $0x1  }
0x28: {  	v4 =	vadd.s32 v1, v4;
	_ =	sdelay $0x3  }
0x29: {  	v3 =	vperm.xlane v3, v2  }
0x2a: {  	[hbm4b:s4+s2] =	stream.indirect_vreg.scatter [tilespmem:s11], [sflag:$0x1], $0x80, v4, vm0, $0xb8;
	[tilespmem:$0xC100] =	vst v63  }
0x2b: {  	s13 =	simm.s32 $0x900;
	v3 =	vadd.s32 v1, v3  }
0x2c: {  	[hbm4b:s5+s2] =	stream.indirect_vreg.scatter [tilespmem:s13], [sflag:$0x1], $0x80, v4, vm0, $0xb8;
	[tilespmem:$0xC100] =	vst v63  }
0x2d: {  	s14 =	simm.s32 $0x1100  }
0x2e: {  	[hbm4b:s6+s2] =	stream.indirect_vreg.scatter [tilespmem:s14], [sflag:$0x1], $0x80, v4, vm0, $0xb8;
	[tilespmem:$0xC100] =	vst v63  }
0x2f: {  	s15 =	simm.s32 $0x1900  }
0x30: {  	[hbm4b:s4+s2] =	stream.indirect_vreg.scatter [tilespmem:s15], [sflag:$0x1], $0x80, v3, vm0, $0xb8;
	[tilespmem:$0xC100] =	vst v63  }
0x31: {  	_ = 	snop  }
0x32: {  	[hbm4b:s5+s2] =	stream.indirect_vreg.scatter [tilespmem:s16], [sflag:$0x1], $0x80, v3, vm0, $0xb8;
	[tilespmem:$0xC100] =	vst v63  }
0x33: {  	_ = 	snop  }
0x34: {  	[hbm4b:s6+s2] =	stream.indirect_vreg.scatter [tilespmem:s17], [sflag:$0x1], $0x80, v3, vm0, $0xb8;
	[tilespmem:$0xC100] =	vst v63  }
0x35: {  	v3 =	vld [tilespmem:$0x10];
	_ =	sdelay $0x4  }
0x36: {  	v57 =	vshrl.u32 v3, $0x3  }
0x37: {  	v4 =	vmul.u32 $0x30, v57  }
0x38: {  	v3 =	vand.u32 $0x7, v3  }
0x39: {  	v3 =	vor.u32 v3, v4  }
0x3a: {  	v4 =	vperm.xlane v3, v0;
	_ =	sdelay $0x1  }
0x3b: {  	v4 =	vadd.s32 v1, v4;
	_ =	sdelay $0x3  }
0x3c: {  	v3 =	vperm.xlane v3, v2  }
0x3d: {  	[hbm4b:s4+s2] =	stream.indirect_vreg.scatter [tilespmem:s18], [sflag:$0x1], $0x80, v4, vm0, $0xb8;
	[tilespmem:$0xC100] =	vst v63  }
0x3e: {  	v3 =	vadd.s32 v1, v3  }
0x3f: {  	[hbm4b:s5+s2] =	stream.indirect_vreg.scatter [tilespmem:s19], [sflag:$0x1], $0x80, v4, vm0, $0xb8;
	[tilespmem:$0xC100] =	vst v63  }
0x40: {  	_ = 	snop  }
0x41: {  	[hbm4b:s6+s2] =	stream.indirect_vreg.scatter [tilespmem:s20], [sflag:$0x1], $0x80, v4, vm0, $0xb8;
	[tilespmem:$0xC100] =	vst v63  }
0x42: {  	_ = 	snop  }
0x43: {  	[hbm4b:s4+s2] =	stream.indirect_vreg.scatter [tilespmem:s21], [sflag:$0x1], $0x80, v3, vm0, $0xb8;
	[tilespmem:$0xC100] =	vst v63  }
0x44: {  	_ = 	snop  }
0x45: {  	[hbm4b:s5+s2] =	stream.indirect_vreg.scatter [tilespmem:s22], [sflag:$0x1], $0x80, v3, vm0, $0xb8;
	[tilespmem:$0xC100] =	vst v63  }
0x46: {  	_ = 	snop  }
0x47: {  	[hbm4b:s6+s2] =	stream.indirect_vreg.scatter [tilespmem:s23], [sflag:$0x1], $0x80, v3, vm0, $0xb8;
	[tilespmem:$0xC100] =	vst v63  }
0x48: {  	v3 =	vld [tilespmem:$0x20];
	_ =	sdelay $0x4  }
0x49: {  	v58 =	vshrl.u32 v3, $0x3  }
0x4a: {  	v4 =	vmul.u32 $0x30, v58  }
0x4b: {  	v3 =	vand.u32 $0x7, v3  }
0x4c: {  	v3 =	vor.u32 v3, v4  }
0x4d: {  	v4 =	vperm.xlane v3, v0;
	_ =	sdelay $0x1  }
0x4e: {  	v4 =	vadd.s32 v1, v4;
	_ =	sdelay $0x3  }
0x4f: {  	v3 =	vperm.xlane v3, v2  }
0x50: {  	[hbm4b:s4+s2] =	stream.indirect_vreg.scatter [tilespmem:s24], [sflag:$0x1], $0x80, v4, vm0, $0xb8;
	[tilespmem:$0xC100] =	vst v63  }
0x51: {  	v3 =	vadd.s32 v1, v3  }
0x52: {  	[hbm4b:s5+s2] =	stream.indirect_vreg.scatter [tilespmem:s25], [sflag:$0x1], $0x80, v4, vm0, $0xb8;
	[tilespmem:$0xC100] =	vst v63  }
0x53: {  	_ = 	snop  }
0x54: {  	[hbm4b:s6+s2] =	stream.indirect_vreg.scatter [tilespmem:s26], [sflag:$0x1], $0x80, v4, vm0, $0xb8;
	[tilespmem:$0xC100] =	vst v63  }
0x55: {  	_ = 	snop  }
0x56: {  	[hbm4b:s4+s2] =	stream.indirect_vreg.scatter [tilespmem:s28], [sflag:$0x1], $0x80, v3, vm0, $0xb8;
	[tilespmem:$0xC100] =	vst v63  }
0x57: {  	_ = 	snop  }
0x58: {  	[hbm4b:s5+s2] =	stream.indirect_vreg.scatter [tilespmem:s29], [sflag:$0x1], $0x80, v3, vm0, $0xb8;
	[tilespmem:$0xC100] =	vst v63  }
0x59: {  	_ = 	snop  }
0x5a: {  	[hbm4b:s6+s2] =	stream.indirect_vreg.scatter [tilespmem:s30], [sflag:$0x1], $0x80, v3, vm0, $0xb8;
	[tilespmem:$0xC100] =	vst v63  }
0x5b: {  	v3 =	vld [tilespmem:$0x30];
	_ =	sdelay $0x4  }
0x5c: {  	v59 =	vshrl.u32 v3, $0x3  }
0x5d: {  	v4 =	vmul.u32 $0x30, v59  }
0x5e: {  	v3 =	vand.u32 $0x7, v3  }
0x5f: {  	v3 =	vor.u32 v3, v4  }
0x60: {  	v4 =	vperm.xlane v3, v0;
	_ =	sdelay $0x1  }
0x61: {  	v4 =	vadd.s32 v1, v4;
	_ =	sdelay $0x3  }
0x62: {  	v3 =	vperm.xlane v3, v2  }
0x63: {  	[hbm4b:s4+s2] =	stream.indirect_vreg.scatter [tilespmem:s31], [sflag:$0x1], $0x80, v4, vm0, $0xb8;
	[tilespmem:$0xC100] =	vst v63  }
0x64: {  	s0 =	simm.s32 $0x9900;
	v3 =	vadd.s32 v1, v3  }
0x65: {  	[hbm4b:s5+s2] =	stream.indirect_vreg.scatter [tilespmem:s0], [sflag:$0x1], $0x80, v4, vm0, $0xb8;
	[tilespmem:$0xC100] =	vst v63  }
0x66: {  	_ = 	snop  }
0x67: {  	[hbm4b:s6+s2] =	stream.indirect_vreg.scatter [tilespmem:s1], [sflag:$0x1], $0x80, v4, vm0, $0xb8;
	[tilespmem:$0xC100] =	vst v63  }
0x68: {  	_ = 	snop  }
0x69: {  	[hbm4b:s4+s2] =	stream.indirect_vreg.scatter [tilespmem:s3], [sflag:$0x1], $0x80, v3, vm0, $0xb8;
	[tilespmem:$0xC100] =	vst v63  }
0x6a: {  	_ = 	snop  }
0x6b: {  	[hbm4b:s5+s2] =	stream.indirect_vreg.scatter [tilespmem:s12], [sflag:$0x1], $0x80, v3, vm0, $0xb8;
	[tilespmem:$0xC100] =	vst v63  }
0x6c: {  	_ = 	snop  }
0x6d: {  	[hbm4b:s6+s2] =	stream.indirect_vreg.scatter [tilespmem:s8], [sflag:$0x1], $0x80, v3, vm0, $0xb8;
	[tilespmem:$0xC100] =	vst v63  }
0x6e: {  	_ =	swait.ge [sflag:s9], $0xC000  }
0x6f: {  	[sflag:s9] =	ssyncset.done $0x0  }
0x70: {  	[sflag:s9] =	ssyncadd.s32 $0xFFFF4000  }
0x71: {  	v3 =	vld [tilespmem:$0x80];
	_ =	sdelay $0x4  }
0x72: {  	v60 =	vshrl.u32 v3, $0x3  }
0x73: {  	v4 =	vmul.u32 $0x30, v60  }
0x74: {  	v3 =	vand.u32 $0x7, v3  }
0x75: {  	v3 =	vor.u32 v3, v4  }
0x76: {  	v4 =	vperm.xlane v3, v0;
	_ =	sdelay $0x1  }
0x77: {  	v4 =	vadd.s32 v1, v4;
	_ =	sdelay $0x3  }
0x78: {  	v3 =	vperm.xlane v3, v2  }
0x79: {  	[hbm4b:s4+s2] =	stream.indirect_vreg.scatter [tilespmem:s11], [sflag:$0x2], $0x80, v4, vm0, $0xb8;
	[tilespmem:$0xC100] =	vst v63  }
0x7a: {  	v3 =	vadd.s32 v1, v3  }
0x7b: {  	[hbm4b:s5+s2] =	stream.indirect_vreg.scatter [tilespmem:s13], [sflag:$0x2], $0x80, v4, vm0, $0xb8;
	[tilespmem:$0xC100] =	vst v63  }
0x7c: {  	_ = 	snop  }
0x7d: {  	[hbm4b:s6+s2] =	stream.indirect_vreg.scatter [tilespmem:s14], [sflag:$0x2], $0x80, v4, vm0, $0xb8;
	[tilespmem:$0xC100] =	vst v63  }
0x7e: {  	_ = 	snop  }
0x7f: {  	[hbm4b:s4+s2] =	stream.indirect_vreg.scatter [tilespmem:s15], [sflag:$0x2], $0x80, v3, vm0, $0xb8;
	[tilespmem:$0xC100] =	vst v63  }
0x80: {  	_ = 	snop  }
0x81: {  	[hbm4b:s5+s2] =	stream.indirect_vreg.scatter [tilespmem:s16], [sflag:$0x2], $0x80, v3, vm0, $0xb8;
	[tilespmem:$0xC100] =	vst v63  }
0x82: {  	_ = 	snop  }
0x83: {  	[hbm4b:s6+s2] =	stream.indirect_vreg.scatter [tilespmem:s17], [sflag:$0x2], $0x80, v3, vm0, $0xb8;
	[tilespmem:$0xC100] =	vst v63  }
0x84: {  	v3 =	vld [tilespmem:$0x90];
	_ =	sdelay $0x4  }
0x85: {  	v61 =	vshrl.u32 v3, $0x3  }
0x86: {  	v4 =	vmul.u32 $0x30, v61  }
0x87: {  	v3 =	vand.u32 $0x7, v3  }
0x88: {  	v3 =	vor.u32 v3, v4  }
0x89: {  	v4 =	vperm.xlane v3, v0;
	_ =	sdelay $0x1  }
0x8a: {  	v4 =	vadd.s32 v1, v4;
	_ =	sdelay $0x3  }
0x8b: {  	v3 =	vperm.xlane v3, v2  }
0x8c: {  	[hbm4b:s4+s2] =	stream.indirect_vreg.scatter [tilespmem:s18], [sflag:$0x2], $0x80, v4, vm0, $0xb8;
	[tilespmem:$0xC100] =	vst v63  }
0x8d: {  	v3 =	vadd.s32 v1, v3  }
0x8e: {  	[hbm4b:s5+s2] =	stream.indirect_vreg.scatter [tilespmem:s19], [sflag:$0x2], $0x80, v4, vm0, $0xb8;
	[tilespmem:$0xC100] =	vst v63  }
0x8f: {  	_ = 	snop  }
0x90: {  	[hbm4b:s6+s2] =	stream.indirect_vreg.scatter [tilespmem:s20], [sflag:$0x2], $0x80, v4, vm0, $0xb8;
	[tilespmem:$0xC100] =	vst v63  }
0x91: {  	_ = 	snop  }
0x92: {  	[hbm4b:s4+s2] =	stream.indirect_vreg.scatter [tilespmem:s21], [sflag:$0x2], $0x80, v3, vm0, $0xb8;
	[tilespmem:$0xC100] =	vst v63  }
0x93: {  	_ = 	snop  }
0x94: {  	[hbm4b:s5+s2] =	stream.indirect_vreg.scatter [tilespmem:s22], [sflag:$0x2], $0x80, v3, vm0, $0xb8;
	[tilespmem:$0xC100] =	vst v63  }
0x95: {  	_ = 	snop  }
0x96: {  	[hbm4b:s6+s2] =	stream.indirect_vreg.scatter [tilespmem:s23], [sflag:$0x2], $0x80, v3, vm0, $0xb8;
	[tilespmem:$0xC100] =	vst v63  }
0x97: {  	v3 =	vld [tilespmem:$0xA0];
	_ =	sdelay $0x4  }
0x98: {  	v62 =	vshrl.u32 v3, $0x3  }
0x99: {  	v4 =	vmul.u32 $0x30, v62  }
0x9a: {  	v3 =	vand.u32 $0x7, v3  }
0x9b: {  	v3 =	vor.u32 v3, v4  }
0x9c: {  	v4 =	vperm.xlane v3, v0;
	_ =	sdelay $0x1  }
0x9d: {  	v4 =	vadd.s32 v1, v4;
	_ =	sdelay $0x3  }
0x9e: {  	v3 =	vperm.xlane v3, v2  }
0x9f: {  	[hbm4b:s4+s2] =	stream.indirect_vreg.scatter [tilespmem:s24], [sflag:$0x2], $0x80, v4, vm0, $0xb8;
	[tilespmem:$0xC100] =	vst v63  }
0xa0: {  	v3 =	vadd.s32 v1, v3  }
0xa1: {  	[hbm4b:s5+s2] =	stream.indirect_vreg.scatter [tilespmem:s25], [sflag:$0x2], $0x80, v4, vm0, $0xb8;
	[tilespmem:$0xC100] =	vst v63  }
0xa2: {  	_ = 	snop  }
0xa3: {  	[hbm4b:s6+s2] =	stream.indirect_vreg.scatter [tilespmem:s26], [sflag:$0x2], $0x80, v4, vm0, $0xb8;
	[tilespmem:$0xC100] =	vst v63  }
0xa4: {  	_ = 	snop  }
0xa5: {  	[hbm4b:s4+s2] =	stream.indirect_vreg.scatter [tilespmem:s28], [sflag:$0x2], $0x80, v3, vm0, $0xb8;
	[tilespmem:$0xC100] =	vst v63  }
0xa6: {  	_ = 	snop  }
0xa7: {  	[hbm4b:s5+s2] =	stream.indirect_vreg.scatter [tilespmem:s29], [sflag:$0x2], $0x80, v3, vm0, $0xb8;
	[tilespmem:$0xC100] =	vst v63  }
0xa8: {  	_ = 	snop  }
0xa9: {  	[hbm4b:s6+s2] =	stream.indirect_vreg.scatter [tilespmem:s30], [sflag:$0x2], $0x80, v3, vm0, $0xb8;
	[tilespmem:$0xC100] =	vst v63  }
0xaa: {  	v3 =	vld [tilespmem:$0xB0];
	_ =	sdelay $0x4  }
0xab: {  	v63 =	vshrl.u32 v3, $0x3  }
0xac: {  	v4 =	vmul.u32 $0x30, v63  }
0xad: {  	v3 =	vand.u32 $0x7, v3  }
0xae: {  	v3 =	vor.u32 v3, v4  }
0xaf: {  	v4 =	vperm.xlane v3, v0;
	_ =	sdelay $0x1  }
0xb0: {  	v4 =	vadd.s32 v1, v4;
	_ =	sdelay $0x3  }
0xb1: {  	v3 =	vperm.xlane v3, v2  }
0xb2: {  	[hbm4b:s4+s2] =	stream.indirect_vreg.scatter [tilespmem:s31], [sflag:$0x2], $0x80, v4, vm0, $0xb8;
	[tilespmem:$0xC100] =	vst v63  }
0xb3: {  	v3 =	vadd.s32 v1, v3  }
0xb4: {  	[hbm4b:s5+s2] =	stream.indirect_vreg.scatter [tilespmem:s0], [sflag:$0x2], $0x80, v4, vm0, $0xb8;
	[tilespmem:$0xC100] =	vst v63  }
0xb5: {  	_ = 	snop  }
0xb6: {  	[hbm4b:s6+s2] =	stream.indirect_vreg.scatter [tilespmem:s1], [sflag:$0x2], $0x80, v4, vm0, $0xb8;
	[tilespmem:$0xC100] =	vst v63  }
0xb7: {  	_ = 	snop  }
0xb8: {  	[hbm4b:s4+s2] =	stream.indirect_vreg.scatter [tilespmem:s3], [sflag:$0x2], $0x80, v3, vm0, $0xb8;
	[tilespmem:$0xC100] =	vst v63  }
0xb9: {  	p0 =	sne.s32 s7, $0x1  }
0xba: {  	[hbm4b:s5+s2] =	stream.indirect_vreg.scatter [tilespmem:s12], [sflag:$0x2], $0x80, v3, vm0, $0xb8;
	[tilespmem:$0xC100] =	vst v63  }
.Ltmp0:
0xbb: {  	_ = 	snop;
	(pc) =	sbr.rel @p0 .LBB2_1-.Ltmp0, $4  }
0xbc: {  	[hbm4b:s6+s2] =	stream.indirect_vreg.scatter [tilespmem:s8], [sflag:$0x2], $0x80, v3, vm0, $0xb8;
	[tilespmem:$0xC100] =	vst v63  }
0xbd: {  	_ =	swait.ge [sflag:s10], $0xC000  }
0xbe: {  	[sflag:s10] =	ssyncset.done $0x0  }
0xbf: {  	s7 =	sadd.s32 $0xFFFFFFFF, s7;
	[sflag:s10] =	ssyncadd.s32 $0xFFFF4000  }
0xc0: {  	_ =	sfence.sel $0x180000  }
0xc1: {  	[bflag:$0x0] =	sbarrier.arrive $0xFFFF  }
0xc2: {  	_ =	strace $0x90000047  }
0xc3: {  	s0 =	stileid.u32;
	[bflag:$0x2] =	sbarrier.arrive $0xFFFF  }
0xc4: {  	p0 =	sne.s32 s0, $0x0;
	s0 =	rddreg [dreg:$0x2]  }
0xc5: {  	s0 =	sadd.s32 @!p0 $0x100000, s0  }
0xc6: {  	[sflag:s0] =	ssyncadd.tile.s32 @!p0 $0x1;
	_ =	shalt  }
.Lfunc_end2:
_tile_overlayer_lowered:
.L_overlay_start_2:
0xc7: {  	(tag) =	ssettag $0x2  }
0xc8: {  	s0 =	rddreg [dreg:$0x0];
	s2 =	stileid.u32  }
0xc9: {  	s1 =	rddreg [dreg:$0x1];
	p0 =	sne.s32 s2, $0x0  }
0xca: {  	s3 =	rddreg [dreg:$0x2];
	[bflag:$0x3] =	sbarrier.arrive $0xFFFF;
	s2 =	simm.s32 @!p0 $0x1C04  }
0xcb: {  	[timem:s3], [sflag:s2] =	dma.local @!p0 [hbm:s0], s1  }
0xcc: {  	s0 =	simm.s32 @!p0 $0x4  }
0xcd: {  	_ =	swait.ge @!p0 [sflag:s0], s1  }
0xce: {  	s1 =	ssub.s32 @!p0 $0x0, s1;
	[sflag:s0] =	ssyncset.done @!p0 $0x0  }
0xcf: {  	[sflag:s0] =	ssyncadd.s32 @!p0 s1  }
0xd0: {  	[bflag:$0x3] =	sbarrier.arrive $0xFFFF  }
0xd1: {  	_ =	shalt  }

</sc_bundles>
